<compile_context>
chip_gen: v7x
topology: tpu7x:2x2x1
jax: 0.10.2.dev20260603
libtpu: 0.0.44.dev20260713+nightly
codegen_flags: <defaults>
</compile_context>

<pallas_src>
import functools

import jax
import jax.numpy as jnp
from jax import lax
from jax.experimental import pallas as pl
from jax.experimental.pallas import tpu as pltpu
from jax.experimental.pallas import tpu_sc as plsc

N_TOKENS = 32768
D_MODEL = 2048
N_EXPERTS = 8
TOP_K = 2

NC = 2
NS = 16
L = 16
NW = NC * NS
CHUNK = N_TOKENS // NW
STEPS = CHUNK // L
BLK = 128

TOK_TILE = 1024
N_STEPS = N_TOKENS // TOK_TILE
NBUF = 4
LOOKAHEAD = 3


def _copy_slot(x_hbm, xbuf, sems, step, s):
    return pltpu.make_async_copy(
        x_hbm.at[pl.ds(step * TOK_TILE, TOK_TILE), :],
        xbuf.at[s],
        sems.at[s],
    )


def _out_copy(obuf, out_hbm, osems, step, s):
    return pltpu.make_async_copy(
        obuf.at[s],
        out_hbm.at[:, pl.ds(step * TOK_TILE, TOK_TILE)],
        osems.at[s],
    )


def _matmul_body(x_hbm, w_ref, out_hbm, xbuf, obuf, sems, osems):
    i = pl.program_id(0)

    def start(step):
        for s in range(NBUF):
            @pl.when(lax.rem(step, NBUF) == s)
            def _(s=s):
                _copy_slot(x_hbm, xbuf, sems, step, s).start()

    @pl.when(i == 0)
    def _():
        for d in range(LOOKAHEAD):
            _copy_slot(x_hbm, xbuf, sems, d, d).start()

    @pl.when(i + LOOKAHEAD < N_STEPS)
    def _():
        start(i + LOOKAHEAD)

    os_ = lax.rem(i, 2)
    for t in range(2):
        @pl.when((i >= 2) & (os_ == t))
        def _(t=t):
            _out_copy(obuf, out_hbm, osems, i - 2, t).wait()

    for s in range(NBUF):
        @pl.when(lax.rem(i, NBUF) == s)
        def _(s=s):
            _copy_slot(x_hbm, xbuf, sems, i, s).wait()
            for t in range(2):
                @pl.when(os_ == t)
                def _(s=s, t=t):
                    obuf[t] = lax.dot_general(
                        w_ref[...], xbuf[s],
                        dimension_numbers=(((0,), (1,)), ((), ())),
                        preferred_element_type=jnp.float32,
                    )
                    _out_copy(obuf, out_hbm, osems, i, t).start()

    @pl.when(i == N_STEPS - 1)
    def _():
        for t in range(2):
            @pl.when(os_ == t)
            def _(t=t):
                _out_copy(obuf, out_hbm, osems, i - 1, 1 - t).wait()
                _out_copy(obuf, out_hbm, osems, i, t).wait()


def _matmul(x, w):
    return pl.pallas_call(
        _matmul_body,
        grid=(N_STEPS,),
        in_specs=[
            pl.BlockSpec(memory_space=pl.ANY),
            pl.BlockSpec((D_MODEL, N_EXPERTS), lambda i: (0, 0)),
        ],
        out_specs=pl.BlockSpec(memory_space=pl.ANY),
        out_shape=jax.ShapeDtypeStruct((N_EXPERTS, N_TOKENS), jnp.float32),
        scratch_shapes=[
            pltpu.VMEM((NBUF, TOK_TILE, D_MODEL), jnp.float32),
            pltpu.VMEM((2, N_EXPERTS, TOK_TILE), jnp.float32),
            pltpu.SemaphoreType.DMA((NBUF,)),
            pltpu.SemaphoreType.DMA((2,)),
        ],
        compiler_params=pltpu.CompilerParams(
            dimension_semantics=("arbitrary",),
            vmem_limit_bytes=48 * 1024 * 1024,
        ),
    )(x, w)


def _router_body(logits_hbm, b_hbm, gates_hbm, scores_hbm, idxs_hbm,
                 le_v, b_v, g_v, s_v, i_v, dma_sem):
    wid = lax.axis_index("s") * NC + lax.axis_index("c")
    base = wid * CHUNK

    def le_copy(e):
        return pltpu.make_async_copy(
            logits_hbm.at[e, pl.ds(base, CHUNK)],
            le_v.at[pl.ds(e * CHUNK, CHUNK)],
            dma_sem,
        )

    for e in range(N_EXPERTS):
        le_copy(e).start()
    pltpu.sync_copy(b_hbm, b_v)
    for e in range(N_EXPERTS):
        le_copy(e).wait()
    bsp = [plsc.load_gather(b_v, [jnp.full((L,), e, jnp.int32)])
           for e in range(N_EXPERTS)]

    @plsc.parallel_loop(0, STEPS, 1, unroll=8)
    def step(j):
        off = j * L
        i1 = jnp.zeros((L,), jnp.int32)
        m1 = le_v[pl.ds(off, L)] + bsp[0]
        m2 = jnp.full((L,), -jnp.inf, jnp.float32)
        i2 = jnp.zeros((L,), jnp.int32)
        for e in range(1, N_EXPERTS):
            col = jnp.full((L,), e, jnp.int32)
            v = le_v[pl.ds(e * CHUNK + off, L)] + bsp[e]
            gt1 = v > m1
            gt2 = v > m2
            m2 = jnp.where(gt1, m1, jnp.where(gt2, v, m2))
            i2 = jnp.where(gt1, i1, jnp.where(gt2, col, i2))
            m1 = jnp.where(gt1, v, m1)
            i1 = jnp.where(gt1, col, i1)
        r = jnp.exp(m2 - m1)
        g1 = 1.0 / (1.0 + r)
        g2 = r * g1
        d0 = (j // (BLK // L)) * (TOP_K * BLK) + (j % (BLK // L)) * L
        d1 = d0 + BLK
        s_v[pl.ds(d0, L)] = m1
        s_v[pl.ds(d1, L)] = m2
        g_v[pl.ds(d0, L)] = g1
        g_v[pl.ds(d1, L)] = g2
        i_v[pl.ds(d0, L)] = i1
        i_v[pl.ds(d1, L)] = i2

    obase = base * TOP_K
    pltpu.sync_copy(g_v, gates_hbm.at[pl.ds(obase, CHUNK * TOP_K)])
    pltpu.sync_copy(s_v, scores_hbm.at[pl.ds(obase, CHUNK * TOP_K)])
    pltpu.sync_copy(i_v, idxs_hbm.at[pl.ds(obase, CHUNK * TOP_K)])


_router = functools.partial(
    pl.kernel,
    out_type=(
        jax.ShapeDtypeStruct((N_TOKENS * TOP_K,), jnp.float32),
        jax.ShapeDtypeStruct((N_TOKENS * TOP_K,), jnp.float32),
        jax.ShapeDtypeStruct((N_TOKENS * TOP_K,), jnp.int32),
    ),
    mesh=plsc.VectorSubcoreMesh(
        core_axis_name="c", subcore_axis_name="s",
        num_cores=NC, num_subcores=NS,
    ),
    scratch_types=[
        pltpu.VMEM((CHUNK * N_EXPERTS,), jnp.float32),
        pltpu.VMEM((N_EXPERTS,), jnp.float32),
        pltpu.VMEM((CHUNK * TOP_K,), jnp.float32),
        pltpu.VMEM((CHUNK * TOP_K,), jnp.float32),
        pltpu.VMEM((CHUNK * TOP_K,), jnp.int32),
        pltpu.SemaphoreType.DMA,
    ],
    compiler_params=pltpu.CompilerParams(needs_layout_passes=False),
)(_router_body)


def _detile(o):
    return (o.reshape(N_TOKENS // BLK, TOP_K, BLK)
             .transpose(0, 2, 1)
             .reshape(N_TOKENS, TOP_K))


def kernel(x, W, b):
    logits_t = _matmul(x, W)
    gates, top_scores, top_idxs = _router(logits_t, b)
    return (_detile(gates), _detile(top_scores), _detile(top_idxs))

# --- scband reference (transcript-rebuilt; emitter-appended) ---
"""Pipeline reference for scband-router-10024453669163 (READ-ONLY COPY).

The authoritative reference and input builder live on the scoring server;
editing this copy changes nothing except your own understanding.
"""

import jax, jax.numpy as jnp
import numpy as np

N_TOKENS = 32768
D_MODEL = 2048
N_EXPERTS = 8
TOP_K = 2

def setup_inputs(seed: int = 0) -> dict:
    key = jax.random.key(seed)
    kx, kw = jax.random.split(key)
    x = jax.random.normal(kx, (N_TOKENS, D_MODEL), dtype=jnp.float32)
    # nnx.Linear params: kernel init normal(stddev=0.02), bias init zeros
    W = jax.random.normal(kw, (D_MODEL, N_EXPERTS), dtype=jnp.float32) * 0.02
    b = jnp.zeros((N_EXPERTS,), dtype=jnp.float32)
    return {"x": x, "W": W, "b": b}

def reference(x, W, b):
    # self.router(x): Linear(n_embed -> 8)
    logits = jnp.dot(x, W) + b
    # top_scores, top_idxs = jax.lax.top_k(x, 2)
    top_scores, top_idxs = jax.lax.top_k(logits, TOP_K)
    # gates = softmax(top_scores, axis=-1)
    gates = jax.nn.softmax(top_scores, axis=-1)
    return (gates, top_scores, top_idxs)

if __name__ == "__main__":
    import jax
    _d = setup_inputs()
    print(jax.jit(kernel)(*tuple(_d.values())))

</pallas_src>

<mosaic_0001>
#map = affine_map<(d0, d1) -> (0, 0)>
#map1 = affine_map<(d0, d1) -> (0)>
module attributes {stable_mosaic.version = 14 : i64} {
  func.func @_router_body(%arg0: i32, %arg1: i32, %arg2: memref<8x32768xf32, #tpu.memory_space<hbm>>, %arg3: memref<8xf32, #tpu.memory_space<hbm>>, %arg4: memref<65536xf32, #tpu.memory_space<hbm>>, %arg5: memref<65536xf32, #tpu.memory_space<hbm>>, %arg6: memref<65536xi32, #tpu.memory_space<hbm>>, %arg7: memref<8192xf32, #tpu.memory_space<vmem>>, %arg8: memref<8xf32, #tpu.memory_space<vmem>>, %arg9: memref<2048xf32, #tpu.memory_space<vmem>>, %arg10: memref<2048xf32, #tpu.memory_space<vmem>>, %arg11: memref<2048xi32, #tpu.memory_space<vmem>>, %arg12: memref<!tpu.dma_semaphore, #tpu.memory_space<semaphore_mem>>) attributes {dimension_semantics = [#tpu.dimension_semantics<core_parallel>, #tpu.dimension_semantics<subcore_parallel>], iteration_bounds = array<i64: 2, 16>, scalar_prefetch = 0 : i64, scratch_operands = 6 : i64, tpu.core_type = #tpu.core_type<sc_vector_subcore>, window_params = [{transform_indices = #map}, {transform_indices = #map1}, {transform_indices = #map1}, {transform_indices = #map1}, {transform_indices = #map1}]} {
    %mul3A = arith.constant 2 : i32
    %mul3A_0 = arith.muli %arg1, %mul3A : i32
    %add3A = arith.addi %mul3A_0, %arg0 : i32
    %mul3A_1 = arith.constant 1024 : i32
    %mul3A_2 = arith.muli %add3A, %mul3A_1 : i32
    %dma_start3A = arith.constant 0 : i32
    %dma_start3A_3 = arith.constant 0 : i32
    %dma_start3A_4 = tpu.memref_slice %arg7[%dma_start3A_3] : memref<8192xf32, #tpu.memory_space<vmem>> -> memref<1024xf32, #tpu.memory_space<vmem>>
    %dma_start3A_5 = tpu.memref_slice %arg2[%dma_start3A, %mul3A_2] : memref<8x32768xf32, #tpu.memory_space<hbm>> -> memref<1x1024xf32, #tpu.memory_space<hbm>>
    %dma_start3A_6 = tpu.memref_squeeze %dma_start3A_5 : memref<1x1024xf32, #tpu.memory_space<hbm>> -> memref<1024xf32, #tpu.memory_space<hbm>>
    %dma_start3A_7 = arith.constant 0 : i32
    %dma_start3A_8 = tpu.memref_slice %arg7[%dma_start3A_7] : memref<8192xf32, #tpu.memory_space<vmem>> -> memref<1024xf32, #tpu.memory_space<vmem>>
    %dma_start3A_9 = tpu.memref_slice %arg2[%dma_start3A, %mul3A_2] : memref<8x32768xf32, #tpu.memory_space<hbm>> -> memref<1x1024xf32, #tpu.memory_space<hbm>>
    %dma_start3A_10 = tpu.memref_squeeze %dma_start3A_9 : memref<1x1024xf32, #tpu.memory_space<hbm>> -> memref<1024xf32, #tpu.memory_space<hbm>>
    tpu.enqueue_dma source(%dma_start3A_10 : memref<1024xf32, #tpu.memory_space<hbm>>) target(%dma_start3A_8 : memref<1024xf32, #tpu.memory_space<vmem>>) target_semaphore(%arg12 : memref<!tpu.dma_semaphore, #tpu.memory_space<semaphore_mem>>)
    %dma_start3A_11 = arith.constant 1 : i32
    %dma_start3A_12 = arith.constant 1024 : i32
    %dma_start3A_13 = tpu.memref_slice %arg7[%dma_start3A_12] : memref<8192xf32, #tpu.memory_space<vmem>> -> memref<1024xf32, #tpu.memory_space<vmem>>
    %dma_start3A_14 = tpu.memref_slice %arg2[%dma_start3A_11, %mul3A_2] : memref<8x32768xf32, #tpu.memory_space<hbm>> -> memref<1x1024xf32, #tpu.memory_space<hbm>>
    %dma_start3A_15 = tpu.memref_squeeze %dma_start3A_14 : memref<1x1024xf32, #tpu.memory_space<hbm>> -> memref<1024xf32, #tpu.memory_space<hbm>>
    %dma_start3A_16 = arith.constant 1024 : i32
    %dma_start3A_17 = tpu.memref_slice %arg7[%dma_start3A_16] : memref<8192xf32, #tpu.memory_space<vmem>> -> memref<1024xf32, #tpu.memory_space<vmem>>
    %dma_start3A_18 = tpu.memref_slice %arg2[%dma_start3A_11, %mul3A_2] : memref<8x32768xf32, #tpu.memory_space<hbm>> -> memref<1x1024xf32, #tpu.memory_space<hbm>>
    %dma_start3A_19 = tpu.memref_squeeze %dma_start3A_18 : memref<1x1024xf32, #tpu.memory_space<hbm>> -> memref<1024xf32, #tpu.memory_space<hbm>>
    tpu.enqueue_dma source(%dma_start3A_19 : memref<1024xf32, #tpu.memory_space<hbm>>) target(%dma_start3A_17 : memref<1024xf32, #tpu.memory_space<vmem>>) target_semaphore(%arg12 : memref<!tpu.dma_semaphore, #tpu.memory_space<semaphore_mem>>)
    %dma_start3A_20 = arith.constant 2 : i32
    %dma_start3A_21 = arith.constant 2048 : i32
    %dma_start3A_22 = tpu.memref_slice %arg7[%dma_start3A_21] : memref<8192xf32, #tpu.memory_space<vmem>> -> memref<1024xf32, #tpu.memory_space<vmem>>
    %dma_start3A_23 = tpu.memref_slice %arg2[%dma_start3A_20, %mul3A_2] : memref<8x32768xf32, #tpu.memory_space<hbm>> -> memref<1x1024xf32, #tpu.memory_space<hbm>>
    %dma_start3A_24 = tpu.memref_squeeze %dma_start3A_23 : memref<1x1024xf32, #tpu.memory_space<hbm>> -> memref<1024xf32, #tpu.memory_space<hbm>>
    %dma_start3A_25 = arith.constant 2048 : i32
    %dma_start3A_26 = tpu.memref_slice %arg7[%dma_start3A_25] : memref<8192xf32, #tpu.memory_space<vmem>> -> memref<1024xf32, #tpu.memory_space<vmem>>
    %dma_start3A_27 = tpu.memref_slice %arg2[%dma_start3A_20, %mul3A_2] : memref<8x32768xf32, #tpu.memory_space<hbm>> -> memref<1x1024xf32, #tpu.memory_space<hbm>>
    %dma_start3A_28 = tpu.memref_squeeze %dma_start3A_27 : memref<1x1024xf32, #tpu.memory_space<hbm>> -> memref<1024xf32, #tpu.memory_space<hbm>>
    tpu.enqueue_dma source(%dma_start3A_28 : memref<1024xf32, #tpu.memory_space<hbm>>) target(%dma_start3A_26 : memref<1024xf32, #tpu.memory_space<vmem>>) target_semaphore(%arg12 : memref<!tpu.dma_semaphore, #tpu.memory_space<semaphore_mem>>)
    %dma_start3A_29 = arith.constant 3 : i32
    %dma_start3A_30 = arith.constant 3072 : i32
    %dma_start3A_31 = tpu.memref_slice %arg7[%dma_start3A_30] : memref<8192xf32, #tpu.memory_space<vmem>> -> memref<1024xf32, #tpu.memory_space<vmem>>
    %dma_start3A_32 = tpu.memref_slice %arg2[%dma_start3A_29, %mul3A_2] : memref<8x32768xf32, #tpu.memory_space<hbm>> -> memref<1x1024xf32, #tpu.memory_space<hbm>>
    %dma_start3A_33 = tpu.memref_squeeze %dma_start3A_32 : memref<1x1024xf32, #tpu.memory_space<hbm>> -> memref<1024xf32, #tpu.memory_space<hbm>>
    %dma_start3A_34 = arith.constant 3072 : i32
    %dma_start3A_35 = tpu.memref_slice %arg7[%dma_start3A_34] : memref<8192xf32, #tpu.memory_space<vmem>> -> memref<1024xf32, #tpu.memory_space<vmem>>
    %dma_start3A_36 = tpu.memref_slice %arg2[%dma_start3A_29, %mul3A_2] : memref<8x32768xf32, #tpu.memory_space<hbm>> -> memref<1x1024xf32, #tpu.memory_space<hbm>>
    %dma_start3A_37 = tpu.memref_squeeze %dma_start3A_36 : memref<1x1024xf32, #tpu.memory_space<hbm>> -> memref<1024xf32, #tpu.memory_space<hbm>>
    tpu.enqueue_dma source(%dma_start3A_37 : memref<1024xf32, #tpu.memory_space<hbm>>) target(%dma_start3A_35 : memref<1024xf32, #tpu.memory_space<vmem>>) target_semaphore(%arg12 : memref<!tpu.dma_semaphore, #tpu.memory_space<semaphore_mem>>)
    %dma_start3A_38 = arith.constant 4 : i32
    %dma_start3A_39 = arith.constant 4096 : i32
    %dma_start3A_40 = tpu.memref_slice %arg7[%dma_start3A_39] : memref<8192xf32, #tpu.memory_space<vmem>> -> memref<1024xf32, #tpu.memory_space<vmem>>
    %dma_start3A_41 = tpu.memref_slice %arg2[%dma_start3A_38, %mul3A_2] : memref<8x32768xf32, #tpu.memory_space<hbm>> -> memref<1x1024xf32, #tpu.memory_space<hbm>>
    %dma_start3A_42 = tpu.memref_squeeze %dma_start3A_41 : memref<1x1024xf32, #tpu.memory_space<hbm>> -> memref<1024xf32, #tpu.memory_space<hbm>>
    %dma_start3A_43 = arith.constant 4096 : i32
    %dma_start3A_44 = tpu.memref_slice %arg7[%dma_start3A_43] : memref<8192xf32, #tpu.memory_space<vmem>> -> memref<1024xf32, #tpu.memory_space<vmem>>
    %dma_start3A_45 = tpu.memref_slice %arg2[%dma_start3A_38, %mul3A_2] : memref<8x32768xf32, #tpu.memory_space<hbm>> -> memref<1x1024xf32, #tpu.memory_space<hbm>>
    %dma_start3A_46 = tpu.memref_squeeze %dma_start3A_45 : memref<1x1024xf32, #tpu.memory_space<hbm>> -> memref<1024xf32, #tpu.memory_space<hbm>>
    tpu.enqueue_dma source(%dma_start3A_46 : memref<1024xf32, #tpu.memory_space<hbm>>) target(%dma_start3A_44 : memref<1024xf32, #tpu.memory_space<vmem>>) target_semaphore(%arg12 : memref<!tpu.dma_semaphore, #tpu.memory_space<semaphore_mem>>)
    %dma_start3A_47 = arith.constant 5 : i32
    %dma_start3A_48 = arith.constant 5120 : i32
    %dma_start3A_49 = tpu.memref_slice %arg7[%dma_start3A_48] : memref<8192xf32, #tpu.memory_space<vmem>> -> memref<1024xf32, #tpu.memory_space<vmem>>
    %dma_start3A_50 = tpu.memref_slice %arg2[%dma_start3A_47, %mul3A_2] : memref<8x32768xf32, #tpu.memory_space<hbm>> -> memref<1x1024xf32, #tpu.memory_space<hbm>>
    %dma_start3A_51 = tpu.memref_squeeze %dma_start3A_50 : memref<1x1024xf32, #tpu.memory_space<hbm>> -> memref<1024xf32, #tpu.memory_space<hbm>>
    %dma_start3A_52 = arith.constant 5120 : i32
    %dma_start3A_53 = tpu.memref_slice %arg7[%dma_start3A_52] : memref<8192xf32, #tpu.memory_space<vmem>> -> memref<1024xf32, #tpu.memory_space<vmem>>
    %dma_start3A_54 = tpu.memref_slice %arg2[%dma_start3A_47, %mul3A_2] : memref<8x32768xf32, #tpu.memory_space<hbm>> -> memref<1x1024xf32, #tpu.memory_space<hbm>>
    %dma_start3A_55 = tpu.memref_squeeze %dma_start3A_54 : memref<1x1024xf32, #tpu.memory_space<hbm>> -> memref<1024xf32, #tpu.memory_space<hbm>>
    tpu.enqueue_dma source(%dma_start3A_55 : memref<1024xf32, #tpu.memory_space<hbm>>) target(%dma_start3A_53 : memref<1024xf32, #tpu.memory_space<vmem>>) target_semaphore(%arg12 : memref<!tpu.dma_semaphore, #tpu.memory_space<semaphore_mem>>)
    %dma_start3A_56 = arith.constant 6 : i32
    %dma_start3A_57 = arith.constant 6144 : i32
    %dma_start3A_58 = tpu.memref_slice %arg7[%dma_start3A_57] : memref<8192xf32, #tpu.memory_space<vmem>> -> memref<1024xf32, #tpu.memory_space<vmem>>
    %dma_start3A_59 = tpu.memref_slice %arg2[%dma_start3A_56, %mul3A_2] : memref<8x32768xf32, #tpu.memory_space<hbm>> -> memref<1x1024xf32, #tpu.memory_space<hbm>>
    %dma_start3A_60 = tpu.memref_squeeze %dma_start3A_59 : memref<1x1024xf32, #tpu.memory_space<hbm>> -> memref<1024xf32, #tpu.memory_space<hbm>>
    %dma_start3A_61 = arith.constant 6144 : i32
    %dma_start3A_62 = tpu.memref_slice %arg7[%dma_start3A_61] : memref<8192xf32, #tpu.memory_space<vmem>> -> memref<1024xf32, #tpu.memory_space<vmem>>
    %dma_start3A_63 = tpu.memref_slice %arg2[%dma_start3A_56, %mul3A_2] : memref<8x32768xf32, #tpu.memory_space<hbm>> -> memref<1x1024xf32, #tpu.memory_space<hbm>>
    %dma_start3A_64 = tpu.memref_squeeze %dma_start3A_63 : memref<1x1024xf32, #tpu.memory_space<hbm>> -> memref<1024xf32, #tpu.memory_space<hbm>>
    tpu.enqueue_dma source(%dma_start3A_64 : memref<1024xf32, #tpu.memory_space<hbm>>) target(%dma_start3A_62 : memref<1024xf32, #tpu.memory_space<vmem>>) target_semaphore(%arg12 : memref<!tpu.dma_semaphore, #tpu.memory_space<semaphore_mem>>)
    %dma_start3A_65 = arith.constant 7 : i32
    %dma_start3A_66 = arith.constant 7168 : i32
    %dma_start3A_67 = tpu.memref_slice %arg7[%dma_start3A_66] : memref<8192xf32, #tpu.memory_space<vmem>> -> memref<1024xf32, #tpu.memory_space<vmem>>
    %dma_start3A_68 = tpu.memref_slice %arg2[%dma_start3A_65, %mul3A_2] : memref<8x32768xf32, #tpu.memory_space<hbm>> -> memref<1x1024xf32, #tpu.memory_space<hbm>>
    %dma_start3A_69 = tpu.memref_squeeze %dma_start3A_68 : memref<1x1024xf32, #tpu.memory_space<hbm>> -> memref<1024xf32, #tpu.memory_space<hbm>>
    %dma_start3A_70 = arith.constant 7168 : i32
    %dma_start3A_71 = tpu.memref_slice %arg7[%dma_start3A_70] : memref<8192xf32, #tpu.memory_space<vmem>> -> memref<1024xf32, #tpu.memory_space<vmem>>
    %dma_start3A_72 = tpu.memref_slice %arg2[%dma_start3A_65, %mul3A_2] : memref<8x32768xf32, #tpu.memory_space<hbm>> -> memref<1x1024xf32, #tpu.memory_space<hbm>>
    %dma_start3A_73 = tpu.memref_squeeze %dma_start3A_72 : memref<1x1024xf32, #tpu.memory_space<hbm>> -> memref<1024xf32, #tpu.memory_space<hbm>>
    tpu.enqueue_dma source(%dma_start3A_73 : memref<1024xf32, #tpu.memory_space<hbm>>) target(%dma_start3A_71 : memref<1024xf32, #tpu.memory_space<vmem>>) target_semaphore(%arg12 : memref<!tpu.dma_semaphore, #tpu.memory_space<semaphore_mem>>)
    "tpu.region"() ({
      %run_scoped3A = tpu.sem_alloc : memref<!tpu.dma_semaphore, #tpu.memory_space<semaphore_mem>>
      tpu.enqueue_dma source(%arg3 : memref<8xf32, #tpu.memory_space<hbm>>) target(%arg8 : memref<8xf32, #tpu.memory_space<vmem>>) target_semaphore(%run_scoped3A : memref<!tpu.dma_semaphore, #tpu.memory_space<semaphore_mem>>)
      tpu.wait_dma2 semaphore(%run_scoped3A : memref<!tpu.dma_semaphore, #tpu.memory_space<semaphore_mem>>) src(%arg3 : memref<8xf32, #tpu.memory_space<hbm>>) dst(%arg8 : memref<8xf32, #tpu.memory_space<vmem>>)
      tpu.yield
    }) : () -> ()
    %dma_wait3A = arith.constant 0 : i32
    %dma_wait3A_74 = arith.constant 0 : i32
    %dma_wait3A_75 = tpu.memref_slice %arg7[%dma_wait3A_74] : memref<8192xf32, #tpu.memory_space<vmem>> -> memref<1024xf32, #tpu.memory_space<vmem>>
    %dma_wait3A_76 = tpu.memref_slice %arg2[%dma_wait3A, %mul3A_2] : memref<8x32768xf32, #tpu.memory_space<hbm>> -> memref<1x1024xf32, #tpu.memory_space<hbm>>
    %dma_wait3A_77 = tpu.memref_squeeze %dma_wait3A_76 : memref<1x1024xf32, #tpu.memory_space<hbm>> -> memref<1024xf32, #tpu.memory_space<hbm>>
    %dma_wait3A_78 = arith.constant 0 : i32
    %dma_wait3A_79 = tpu.memref_slice %arg7[%dma_wait3A_78] : memref<8192xf32, #tpu.memory_space<vmem>> -> memref<1024xf32, #tpu.memory_space<vmem>>
    %dma_wait3A_80 = tpu.memref_slice %arg2[%dma_wait3A, %mul3A_2] : memref<8x32768xf32, #tpu.memory_space<hbm>> -> memref<1x1024xf32, #tpu.memory_space<hbm>>
    %dma_wait3A_81 = tpu.memref_squeeze %dma_wait3A_80 : memref<1x1024xf32, #tpu.memory_space<hbm>> -> memref<1024xf32, #tpu.memory_space<hbm>>
    tpu.wait_dma2 semaphore(%arg12 : memref<!tpu.dma_semaphore, #tpu.memory_space<semaphore_mem>>) src(%dma_wait3A_81 : memref<1024xf32, #tpu.memory_space<hbm>>) dst(%dma_wait3A_79 : memref<1024xf32, #tpu.memory_space<vmem>>)
    %dma_wait3A_82 = arith.constant 1 : i32
    %dma_wait3A_83 = arith.constant 1024 : i32
    %dma_wait3A_84 = tpu.memref_slice %arg7[%dma_wait3A_83] : memref<8192xf32, #tpu.memory_space<vmem>> -> memref<1024xf32, #tpu.memory_space<vmem>>
    %dma_wait3A_85 = tpu.memref_slice %arg2[%dma_wait3A_82, %mul3A_2] : memref<8x32768xf32, #tpu.memory_space<hbm>> -> memref<1x1024xf32, #tpu.memory_space<hbm>>
    %dma_wait3A_86 = tpu.memref_squeeze %dma_wait3A_85 : memref<1x1024xf32, #tpu.memory_space<hbm>> -> memref<1024xf32, #tpu.memory_space<hbm>>
    %dma_wait3A_87 = arith.constant 1024 : i32
    %dma_wait3A_88 = tpu.memref_slice %arg7[%dma_wait3A_87] : memref<8192xf32, #tpu.memory_space<vmem>> -> memref<1024xf32, #tpu.memory_space<vmem>>
    %dma_wait3A_89 = tpu.memref_slice %arg2[%dma_wait3A_82, %mul3A_2] : memref<8x32768xf32, #tpu.memory_space<hbm>> -> memref<1x1024xf32, #tpu.memory_space<hbm>>
    %dma_wait3A_90 = tpu.memref_squeeze %dma_wait3A_89 : memref<1x1024xf32, #tpu.memory_space<hbm>> -> memref<1024xf32, #tpu.memory_space<hbm>>
    tpu.wait_dma2 semaphore(%arg12 : memref<!tpu.dma_semaphore, #tpu.memory_space<semaphore_mem>>) src(%dma_wait3A_90 : memref<1024xf32, #tpu.memory_space<hbm>>) dst(%dma_wait3A_88 : memref<1024xf32, #tpu.memory_space<vmem>>)
    %dma_wait3A_91 = arith.constant 2 : i32
    %dma_wait3A_92 = arith.constant 2048 : i32
    %dma_wait3A_93 = tpu.memref_slice %arg7[%dma_wait3A_92] : memref<8192xf32, #tpu.memory_space<vmem>> -> memref<1024xf32, #tpu.memory_space<vmem>>
    %dma_wait3A_94 = tpu.memref_slice %arg2[%dma_wait3A_91, %mul3A_2] : memref<8x32768xf32, #tpu.memory_space<hbm>> -> memref<1x1024xf32, #tpu.memory_space<hbm>>
    %dma_wait3A_95 = tpu.memref_squeeze %dma_wait3A_94 : memref<1x1024xf32, #tpu.memory_space<hbm>> -> memref<1024xf32, #tpu.memory_space<hbm>>
    %dma_wait3A_96 = arith.constant 2048 : i32
    %dma_wait3A_97 = tpu.memref_slice %arg7[%dma_wait3A_96] : memref<8192xf32, #tpu.memory_space<vmem>> -> memref<1024xf32, #tpu.memory_space<vmem>>
    %dma_wait3A_98 = tpu.memref_slice %arg2[%dma_wait3A_91, %mul3A_2] : memref<8x32768xf32, #tpu.memory_space<hbm>> -> memref<1x1024xf32, #tpu.memory_space<hbm>>
    %dma_wait3A_99 = tpu.memref_squeeze %dma_wait3A_98 : memref<1x1024xf32, #tpu.memory_space<hbm>> -> memref<1024xf32, #tpu.memory_space<hbm>>
    tpu.wait_dma2 semaphore(%arg12 : memref<!tpu.dma_semaphore, #tpu.memory_space<semaphore_mem>>) src(%dma_wait3A_99 : memref<1024xf32, #tpu.memory_space<hbm>>) dst(%dma_wait3A_97 : memref<1024xf32, #tpu.memory_space<vmem>>)
    %dma_wait3A_100 = arith.constant 3 : i32
    %dma_wait3A_101 = arith.constant 3072 : i32
    %dma_wait3A_102 = tpu.memref_slice %arg7[%dma_wait3A_101] : memref<8192xf32, #tpu.memory_space<vmem>> -> memref<1024xf32, #tpu.memory_space<vmem>>
    %dma_wait3A_103 = tpu.memref_slice %arg2[%dma_wait3A_100, %mul3A_2] : memref<8x32768xf32, #tpu.memory_space<hbm>> -> memref<1x1024xf32, #tpu.memory_space<hbm>>
    %dma_wait3A_104 = tpu.memref_squeeze %dma_wait3A_103 : memref<1x1024xf32, #tpu.memory_space<hbm>> -> memref<1024xf32, #tpu.memory_space<hbm>>
    %dma_wait3A_105 = arith.constant 3072 : i32
    %dma_wait3A_106 = tpu.memref_slice %arg7[%dma_wait3A_105] : memref<8192xf32, #tpu.memory_space<vmem>> -> memref<1024xf32, #tpu.memory_space<vmem>>
    %dma_wait3A_107 = tpu.memref_slice %arg2[%dma_wait3A_100, %mul3A_2] : memref<8x32768xf32, #tpu.memory_space<hbm>> -> memref<1x1024xf32, #tpu.memory_space<hbm>>
    %dma_wait3A_108 = tpu.memref_squeeze %dma_wait3A_107 : memref<1x1024xf32, #tpu.memory_space<hbm>> -> memref<1024xf32, #tpu.memory_space<hbm>>
    tpu.wait_dma2 semaphore(%arg12 : memref<!tpu.dma_semaphore, #tpu.memory_space<semaphore_mem>>) src(%dma_wait3A_108 : memref<1024xf32, #tpu.memory_space<hbm>>) dst(%dma_wait3A_106 : memref<1024xf32, #tpu.memory_space<vmem>>)
    %dma_wait3A_109 = arith.constant 4 : i32
    %dma_wait3A_110 = arith.constant 4096 : i32
    %dma_wait3A_111 = tpu.memref_slice %arg7[%dma_wait3A_110] : memref<8192xf32, #tpu.memory_space<vmem>> -> memref<1024xf32, #tpu.memory_space<vmem>>
    %dma_wait3A_112 = tpu.memref_slice %arg2[%dma_wait3A_109, %mul3A_2] : memref<8x32768xf32, #tpu.memory_space<hbm>> -> memref<1x1024xf32, #tpu.memory_space<hbm>>
    %dma_wait3A_113 = tpu.memref_squeeze %dma_wait3A_112 : memref<1x1024xf32, #tpu.memory_space<hbm>> -> memref<1024xf32, #tpu.memory_space<hbm>>
    %dma_wait3A_114 = arith.constant 4096 : i32
    %dma_wait3A_115 = tpu.memref_slice %arg7[%dma_wait3A_114] : memref<8192xf32, #tpu.memory_space<vmem>> -> memref<1024xf32, #tpu.memory_space<vmem>>
    %dma_wait3A_116 = tpu.memref_slice %arg2[%dma_wait3A_109, %mul3A_2] : memref<8x32768xf32, #tpu.memory_space<hbm>> -> memref<1x1024xf32, #tpu.memory_space<hbm>>
    %dma_wait3A_117 = tpu.memref_squeeze %dma_wait3A_116 : memref<1x1024xf32, #tpu.memory_space<hbm>> -> memref<1024xf32, #tpu.memory_space<hbm>>
    tpu.wait_dma2 semaphore(%arg12 : memref<!tpu.dma_semaphore, #tpu.memory_space<semaphore_mem>>) src(%dma_wait3A_117 : memref<1024xf32, #tpu.memory_space<hbm>>) dst(%dma_wait3A_115 : memref<1024xf32, #tpu.memory_space<vmem>>)
    %dma_wait3A_118 = arith.constant 5 : i32
    %dma_wait3A_119 = arith.constant 5120 : i32
    %dma_wait3A_120 = tpu.memref_slice %arg7[%dma_wait3A_119] : memref<8192xf32, #tpu.memory_space<vmem>> -> memref<1024xf32, #tpu.memory_space<vmem>>
    %dma_wait3A_121 = tpu.memref_slice %arg2[%dma_wait3A_118, %mul3A_2] : memref<8x32768xf32, #tpu.memory_space<hbm>> -> memref<1x1024xf32, #tpu.memory_space<hbm>>
    %dma_wait3A_122 = tpu.memref_squeeze %dma_wait3A_121 : memref<1x1024xf32, #tpu.memory_space<hbm>> -> memref<1024xf32, #tpu.memory_space<hbm>>
    %dma_wait3A_123 = arith.constant 5120 : i32
    %dma_wait3A_124 = tpu.memref_slice %arg7[%dma_wait3A_123] : memref<8192xf32, #tpu.memory_space<vmem>> -> memref<1024xf32, #tpu.memory_space<vmem>>
    %dma_wait3A_125 = tpu.memref_slice %arg2[%dma_wait3A_118, %mul3A_2] : memref<8x32768xf32, #tpu.memory_space<hbm>> -> memref<1x1024xf32, #tpu.memory_space<hbm>>
    %dma_wait3A_126 = tpu.memref_squeeze %dma_wait3A_125 : memref<1x1024xf32, #tpu.memory_space<hbm>> -> memref<1024xf32, #tpu.memory_space<hbm>>
    tpu.wait_dma2 semaphore(%arg12 : memref<!tpu.dma_semaphore, #tpu.memory_space<semaphore_mem>>) src(%dma_wait3A_126 : memref<1024xf32, #tpu.memory_space<hbm>>) dst(%dma_wait3A_124 : memref<1024xf32, #tpu.memory_space<vmem>>)
    %dma_wait3A_127 = arith.constant 6 : i32
    %dma_wait3A_128 = arith.constant 6144 : i32
    %dma_wait3A_129 = tpu.memref_slice %arg7[%dma_wait3A_128] : memref<8192xf32, #tpu.memory_space<vmem>> -> memref<1024xf32, #tpu.memory_space<vmem>>
    %dma_wait3A_130 = tpu.memref_slice %arg2[%dma_wait3A_127, %mul3A_2] : memref<8x32768xf32, #tpu.memory_space<hbm>> -> memref<1x1024xf32, #tpu.memory_space<hbm>>
    %dma_wait3A_131 = tpu.memref_squeeze %dma_wait3A_130 : memref<1x1024xf32, #tpu.memory_space<hbm>> -> memref<1024xf32, #tpu.memory_space<hbm>>
    %dma_wait3A_132 = arith.constant 6144 : i32
    %dma_wait3A_133 = tpu.memref_slice %arg7[%dma_wait3A_132] : memref<8192xf32, #tpu.memory_space<vmem>> -> memref<1024xf32, #tpu.memory_space<vmem>>
    %dma_wait3A_134 = tpu.memref_slice %arg2[%dma_wait3A_127, %mul3A_2] : memref<8x32768xf32, #tpu.memory_space<hbm>> -> memref<1x1024xf32, #tpu.memory_space<hbm>>
    %dma_wait3A_135 = tpu.memref_squeeze %dma_wait3A_134 : memref<1x1024xf32, #tpu.memory_space<hbm>> -> memref<1024xf32, #tpu.memory_space<hbm>>
    tpu.wait_dma2 semaphore(%arg12 : memref<!tpu.dma_semaphore, #tpu.memory_space<semaphore_mem>>) src(%dma_wait3A_135 : memref<1024xf32, #tpu.memory_space<hbm>>) dst(%dma_wait3A_133 : memref<1024xf32, #tpu.memory_space<vmem>>)
    %dma_wait3A_136 = arith.constant 7 : i32
    %dma_wait3A_137 = arith.constant 7168 : i32
    %dma_wait3A_138 = tpu.memref_slice %arg7[%dma_wait3A_137] : memref<8192xf32, #tpu.memory_space<vmem>> -> memref<1024xf32, #tpu.memory_space<vmem>>
    %dma_wait3A_139 = tpu.memref_slice %arg2[%dma_wait3A_136, %mul3A_2] : memref<8x32768xf32, #tpu.memory_space<hbm>> -> memref<1x1024xf32, #tpu.memory_space<hbm>>
    %dma_wait3A_140 = tpu.memref_squeeze %dma_wait3A_139 : memref<1x1024xf32, #tpu.memory_space<hbm>> -> memref<1024xf32, #tpu.memory_space<hbm>>
    %dma_wait3A_141 = arith.constant 7168 : i32
    %dma_wait3A_142 = tpu.memref_slice %arg7[%dma_wait3A_141] : memref<8192xf32, #tpu.memory_space<vmem>> -> memref<1024xf32, #tpu.memory_space<vmem>>
    %dma_wait3A_143 = tpu.memref_slice %arg2[%dma_wait3A_136, %mul3A_2] : memref<8x32768xf32, #tpu.memory_space<hbm>> -> memref<1x1024xf32, #tpu.memory_space<hbm>>
    %dma_wait3A_144 = tpu.memref_squeeze %dma_wait3A_143 : memref<1x1024xf32, #tpu.memory_space<hbm>> -> memref<1024xf32, #tpu.memory_space<hbm>>
    tpu.wait_dma2 semaphore(%arg12 : memref<!tpu.dma_semaphore, #tpu.memory_space<semaphore_mem>>) src(%dma_wait3A_144 : memref<1024xf32, #tpu.memory_space<hbm>>) dst(%dma_wait3A_142 : memref<1024xf32, #tpu.memory_space<vmem>>)
    %broadcast_in_dim3A = arith.constant 0 : i32
    %broadcast_in_dim3A_145 = vector.broadcast %broadcast_in_dim3A : i32 to vector<16xi32>
    %gather3A = tpu.vector_load_idx %arg8[%broadcast_in_dim3A_145] : memref<8xf32, #tpu.memory_space<vmem>>[vector<16xi32>], vector<16xf32>,
    %broadcast_in_dim3A_146 = arith.constant 1 : i32
    %broadcast_in_dim3A_147 = vector.broadcast %broadcast_in_dim3A_146 : i32 to vector<16xi32>
    %gather3A_148 = tpu.vector_load_idx %arg8[%broadcast_in_dim3A_147] : memref<8xf32, #tpu.memory_space<vmem>>[vector<16xi32>], vector<16xf32>,
    %broadcast_in_dim3A_149 = arith.constant 2 : i32
    %broadcast_in_dim3A_150 = vector.broadcast %broadcast_in_dim3A_149 : i32 to vector<16xi32>
    %gather3A_151 = tpu.vector_load_idx %arg8[%broadcast_in_dim3A_150] : memref<8xf32, #tpu.memory_space<vmem>>[vector<16xi32>], vector<16xf32>,
    %broadcast_in_dim3A_152 = arith.constant 3 : i32
    %broadcast_in_dim3A_153 = vector.broadcast %broadcast_in_dim3A_152 : i32 to vector<16xi32>
    %gather3A_154 = tpu.vector_load_idx %arg8[%broadcast_in_dim3A_153] : memref<8xf32, #tpu.memory_space<vmem>>[vector<16xi32>], vector<16xf32>,
    %broadcast_in_dim3A_155 = arith.constant 4 : i32
    %broadcast_in_dim3A_156 = vector.broadcast %broadcast_in_dim3A_155 : i32 to vector<16xi32>
    %gather3A_157 = tpu.vector_load_idx %arg8[%broadcast_in_dim3A_156] : memref<8xf32, #tpu.memory_space<vmem>>[vector<16xi32>], vector<16xf32>,
    %broadcast_in_dim3A_158 = arith.constant 5 : i32
    %broadcast_in_dim3A_159 = vector.broadcast %broadcast_in_dim3A_158 : i32 to vector<16xi32>
    %gather3A_160 = tpu.vector_load_idx %arg8[%broadcast_in_dim3A_159] : memref<8xf32, #tpu.memory_space<vmem>>[vector<16xi32>], vector<16xf32>,
    %broadcast_in_dim3A_161 = arith.constant 6 : i32
    %broadcast_in_dim3A_162 = vector.broadcast %broadcast_in_dim3A_161 : i32 to vector<16xi32>
    %gather3A_163 = tpu.vector_load_idx %arg8[%broadcast_in_dim3A_162] : memref<8xf32, #tpu.memory_space<vmem>>[vector<16xi32>], vector<16xf32>,
    %broadcast_in_dim3A_164 = arith.constant 7 : i32
    %broadcast_in_dim3A_165 = vector.broadcast %broadcast_in_dim3A_164 : i32 to vector<16xi32>
    %gather3A_166 = tpu.vector_load_idx %arg8[%broadcast_in_dim3A_165] : memref<8xf32, #tpu.memory_space<vmem>>[vector<16xi32>], vector<16xf32>,
    %parallel_loop3A = arith.constant 0 : i32
    %parallel_loop3A_167 = arith.constant 64 : i32
    %parallel_loop3A_168 = arith.constant 1 : i32
    scf.for %parallel_loop3A_171 = %parallel_loop3A to %parallel_loop3A_167 step %parallel_loop3A_168  : i32 {
      %parallel_loop3A_172 = arith.constant 16 : i32
      %parallel_loop3A_173 = arith.muli %parallel_loop3A_171, %parallel_loop3A_172 : i32
      %parallel_loop3A_174 = arith.constant 0 : i32
      %parallel_loop3A_175 = vector.broadcast %parallel_loop3A_174 : i32 to vector<16xi32>
      %parallel_loop3A_176 = arith.index_cast %parallel_loop3A_173 : i32 to index
      %parallel_loop3A_177 = tpu.vector_load %arg7[%parallel_loop3A_176] {strides = array<i32>} : memref<8192xf32, #tpu.memory_space<vmem>>, vector<16xf32>,
      %parallel_loop3A_178 = arith.addf %parallel_loop3A_177, %gather3A : vector<16xf32>
      %parallel_loop3A_179 = arith.constant 0xFF800000 : f32
      %parallel_loop3A_180 = vector.broadcast %parallel_loop3A_179 : f32 to vector<16xf32>
      %parallel_loop3A_181 = arith.constant 0 : i32
      %parallel_loop3A_182 = vector.broadcast %parallel_loop3A_181 : i32 to vector<16xi32>
      %parallel_loop3A_183 = arith.constant 1 : i32
      %parallel_loop3A_184 = vector.broadcast %parallel_loop3A_183 : i32 to vector<16xi32>
      %parallel_loop3A_185 = arith.constant 1024 : i32
      %parallel_loop3A_186 = arith.addi %parallel_loop3A_185, %parallel_loop3A_173 : i32
      %parallel_loop3A_187 = arith.index_cast %parallel_loop3A_186 : i32 to index
      %parallel_loop3A_188 = tpu.vector_load %arg7[%parallel_loop3A_187] {strides = array<i32>} : memref<8192xf32, #tpu.memory_space<vmem>>, vector<16xf32>,
      %parallel_loop3A_189 = arith.addf %parallel_loop3A_188, %gather3A_148 : vector<16xf32>
      %parallel_loop3A_190 = arith.cmpf ogt, %parallel_loop3A_189, %parallel_loop3A_178 : vector<16xf32>
      %parallel_loop3A_191 = arith.cmpf ogt, %parallel_loop3A_189, %parallel_loop3A_180 : vector<16xf32>
      %parallel_loop3A_192 = arith.select %parallel_loop3A_191, %parallel_loop3A_189, %parallel_loop3A_180 : vector<16xi1>, vector<16xf32>
      %parallel_loop3A_193 = arith.select %parallel_loop3A_190, %parallel_loop3A_178, %parallel_loop3A_192 : vector<16xi1>, vector<16xf32>
      %parallel_loop3A_194 = arith.select %parallel_loop3A_191, %parallel_loop3A_184, %parallel_loop3A_182 : vector<16xi1>, vector<16xi32>
      %parallel_loop3A_195 = arith.select %parallel_loop3A_190, %parallel_loop3A_175, %parallel_loop3A_194 : vector<16xi1>, vector<16xi32>
      %parallel_loop3A_196 = arith.select %parallel_loop3A_190, %parallel_loop3A_189, %parallel_loop3A_178 : vector<16xi1>, vector<16xf32>
      %parallel_loop3A_197 = arith.select %parallel_loop3A_190, %parallel_loop3A_184, %parallel_loop3A_175 : vector<16xi1>, vector<16xi32>
      %parallel_loop3A_198 = arith.constant 2 : i32
      %parallel_loop3A_199 = vector.broadcast %parallel_loop3A_198 : i32 to vector<16xi32>
      %parallel_loop3A_200 = arith.constant 2048 : i32
      %parallel_loop3A_201 = arith.addi %parallel_loop3A_200, %parallel_loop3A_173 : i32
      %parallel_loop3A_202 = arith.index_cast %parallel_loop3A_201 : i32 to index
      %parallel_loop3A_203 = tpu.vector_load %arg7[%parallel_loop3A_202] {strides = array<i32>} : memref<8192xf32, #tpu.memory_space<vmem>>, vector<16xf32>,
      %parallel_loop3A_204 = arith.addf %parallel_loop3A_203, %gather3A_151 : vector<16xf32>
      %parallel_loop3A_205 = arith.cmpf ogt, %parallel_loop3A_204, %parallel_loop3A_196 : vector<16xf32>
      %parallel_loop3A_206 = arith.cmpf ogt, %parallel_loop3A_204, %parallel_loop3A_193 : vector<16xf32>
      %parallel_loop3A_207 = arith.select %parallel_loop3A_206, %parallel_loop3A_204, %parallel_loop3A_193 : vector<16xi1>, vector<16xf32>
      %parallel_loop3A_208 = arith.select %parallel_loop3A_205, %parallel_loop3A_196, %parallel_loop3A_207 : vector<16xi1>, vector<16xf32>
      %parallel_loop3A_209 = arith.select %parallel_loop3A_206, %parallel_loop3A_199, %parallel_loop3A_195 : vector<16xi1>, vector<16xi32>
      %parallel_loop3A_210 = arith.select %parallel_loop3A_205, %parallel_loop3A_197, %parallel_loop3A_209 : vector<16xi1>, vector<16xi32>
      %parallel_loop3A_211 = arith.select %parallel_loop3A_205, %parallel_loop3A_204, %parallel_loop3A_196 : vector<16xi1>, vector<16xf32>
      %parallel_loop3A_212 = arith.select %parallel_loop3A_205, %parallel_loop3A_199, %parallel_loop3A_197 : vector<16xi1>, vector<16xi32>
      %parallel_loop3A_213 = arith.constant 3 : i32
      %parallel_loop3A_214 = vector.broadcast %parallel_loop3A_213 : i32 to vector<16xi32>
      %parallel_loop3A_215 = arith.constant 3072 : i32
      %parallel_loop3A_216 = arith.addi %parallel_loop3A_215, %parallel_loop3A_173 : i32
      %parallel_loop3A_217 = arith.index_cast %parallel_loop3A_216 : i32 to index
      %parallel_loop3A_218 = tpu.vector_load %arg7[%parallel_loop3A_217] {strides = array<i32>} : memref<8192xf32, #tpu.memory_space<vmem>>, vector<16xf32>,
      %parallel_loop3A_219 = arith.addf %parallel_loop3A_218, %gather3A_154 : vector<16xf32>
      %parallel_loop3A_220 = arith.cmpf ogt, %parallel_loop3A_219, %parallel_loop3A_211 : vector<16xf32>
      %parallel_loop3A_221 = arith.cmpf ogt, %parallel_loop3A_219, %parallel_loop3A_208 : vector<16xf32>
      %parallel_loop3A_222 = arith.select %parallel_loop3A_221, %parallel_loop3A_219, %parallel_loop3A_208 : vector<16xi1>, vector<16xf32>
      %parallel_loop3A_223 = arith.select %parallel_loop3A_220, %parallel_loop3A_211, %parallel_loop3A_222 : vector<16xi1>, vector<16xf32>
      %parallel_loop3A_224 = arith.select %parallel_loop3A_221, %parallel_loop3A_214, %parallel_loop3A_210 : vector<16xi1>, vector<16xi32>
      %parallel_loop3A_225 = arith.select %parallel_loop3A_220, %parallel_loop3A_212, %parallel_loop3A_224 : vector<16xi1>, vector<16xi32>
      %parallel_loop3A_226 = arith.select %parallel_loop3A_220, %parallel_loop3A_219, %parallel_loop3A_211 : vector<16xi1>, vector<16xf32>
      %parallel_loop3A_227 = arith.select %parallel_loop3A_220, %parallel_loop3A_214, %parallel_loop3A_212 : vector<16xi1>, vector<16xi32>
      %parallel_loop3A_228 = arith.constant 4 : i32
      %parallel_loop3A_229 = vector.broadcast %parallel_loop3A_228 : i32 to vector<16xi32>
      %parallel_loop3A_230 = arith.constant 4096 : i32
      %parallel_loop3A_231 = arith.addi %parallel_loop3A_230, %parallel_loop3A_173 : i32
      %parallel_loop3A_232 = arith.index_cast %parallel_loop3A_231 : i32 to index
      %parallel_loop3A_233 = tpu.vector_load %arg7[%parallel_loop3A_232] {strides = array<i32>} : memref<8192xf32, #tpu.memory_space<vmem>>, vector<16xf32>,
      %parallel_loop3A_234 = arith.addf %parallel_loop3A_233, %gather3A_157 : vector<16xf32>
      %parallel_loop3A_235 = arith.cmpf ogt, %parallel_loop3A_234, %parallel_loop3A_226 : vector<16xf32>
      %parallel_loop3A_236 = arith.cmpf ogt, %parallel_loop3A_234, %parallel_loop3A_223 : vector<16xf32>
      %parallel_loop3A_237 = arith.select %parallel_loop3A_236, %parallel_loop3A_234, %parallel_loop3A_223 : vector<16xi1>, vector<16xf32>
      %parallel_loop3A_238 = arith.select %parallel_loop3A_235, %parallel_loop3A_226, %parallel_loop3A_237 : vector<16xi1>, vector<16xf32>
      %parallel_loop3A_239 = arith.select %parallel_loop3A_236, %parallel_loop3A_229, %parallel_loop3A_225 : vector<16xi1>, vector<16xi32>
      %parallel_loop3A_240 = arith.select %parallel_loop3A_235, %parallel_loop3A_227, %parallel_loop3A_239 : vector<16xi1>, vector<16xi32>
      %parallel_loop3A_241 = arith.select %parallel_loop3A_235, %parallel_loop3A_234, %parallel_loop3A_226 : vector<16xi1>, vector<16xf32>
      %parallel_loop3A_242 = arith.select %parallel_loop3A_235, %parallel_loop3A_229, %parallel_loop3A_227 : vector<16xi1>, vector<16xi32>
      %parallel_loop3A_243 = arith.constant 5 : i32
      %parallel_loop3A_244 = vector.broadcast %parallel_loop3A_243 : i32 to vector<16xi32>
      %parallel_loop3A_245 = arith.constant 5120 : i32
      %parallel_loop3A_246 = arith.addi %parallel_loop3A_245, %parallel_loop3A_173 : i32
      %parallel_loop3A_247 = arith.index_cast %parallel_loop3A_246 : i32 to index
      %parallel_loop3A_248 = tpu.vector_load %arg7[%parallel_loop3A_247] {strides = array<i32>} : memref<8192xf32, #tpu.memory_space<vmem>>, vector<16xf32>,
      %parallel_loop3A_249 = arith.addf %parallel_loop3A_248, %gather3A_160 : vector<16xf32>
      %parallel_loop3A_250 = arith.cmpf ogt, %parallel_loop3A_249, %parallel_loop3A_241 : vector<16xf32>
      %parallel_loop3A_251 = arith.cmpf ogt, %parallel_loop3A_249, %parallel_loop3A_238 : vector<16xf32>
      %parallel_loop3A_252 = arith.select %parallel_loop3A_251, %parallel_loop3A_249, %parallel_loop3A_238 : vector<16xi1>, vector<16xf32>
      %parallel_loop3A_253 = arith.select %parallel_loop3A_250, %parallel_loop3A_241, %parallel_loop3A_252 : vector<16xi1>, vector<16xf32>
      %parallel_loop3A_254 = arith.select %parallel_loop3A_251, %parallel_loop3A_244, %parallel_loop3A_240 : vector<16xi1>, vector<16xi32>
      %parallel_loop3A_255 = arith.select %parallel_loop3A_250, %parallel_loop3A_242, %parallel_loop3A_254 : vector<16xi1>, vector<16xi32>
      %parallel_loop3A_256 = arith.select %parallel_loop3A_250, %parallel_loop3A_249, %parallel_loop3A_241 : vector<16xi1>, vector<16xf32>
      %parallel_loop3A_257 = arith.select %parallel_loop3A_250, %parallel_loop3A_244, %parallel_loop3A_242 : vector<16xi1>, vector<16xi32>
      %parallel_loop3A_258 = arith.constant 6 : i32
      %parallel_loop3A_259 = vector.broadcast %parallel_loop3A_258 : i32 to vector<16xi32>
      %parallel_loop3A_260 = arith.constant 6144 : i32
      %parallel_loop3A_261 = arith.addi %parallel_loop3A_260, %parallel_loop3A_173 : i32
      %parallel_loop3A_262 = arith.index_cast %parallel_loop3A_261 : i32 to index
      %parallel_loop3A_263 = tpu.vector_load %arg7[%parallel_loop3A_262] {strides = array<i32>} : memref<8192xf32, #tpu.memory_space<vmem>>, vector<16xf32>,
      %parallel_loop3A_264 = arith.addf %parallel_loop3A_263, %gather3A_163 : vector<16xf32>
      %parallel_loop3A_265 = arith.cmpf ogt, %parallel_loop3A_264, %parallel_loop3A_256 : vector<16xf32>
      %parallel_loop3A_266 = arith.cmpf ogt, %parallel_loop3A_264, %parallel_loop3A_253 : vector<16xf32>
      %parallel_loop3A_267 = arith.select %parallel_loop3A_266, %parallel_loop3A_264, %parallel_loop3A_253 : vector<16xi1>, vector<16xf32>
      %parallel_loop3A_268 = arith.select %parallel_loop3A_265, %parallel_loop3A_256, %parallel_loop3A_267 : vector<16xi1>, vector<16xf32>
      %parallel_loop3A_269 = arith.select %parallel_loop3A_266, %parallel_loop3A_259, %parallel_loop3A_255 : vector<16xi1>, vector<16xi32>
      %parallel_loop3A_270 = arith.select %parallel_loop3A_265, %parallel_loop3A_257, %parallel_loop3A_269 : vector<16xi1>, vector<16xi32>
      %parallel_loop3A_271 = arith.select %parallel_loop3A_265, %parallel_loop3A_264, %parallel_loop3A_256 : vector<16xi1>, vector<16xf32>
      %parallel_loop3A_272 = arith.select %parallel_loop3A_265, %parallel_loop3A_259, %parallel_loop3A_257 : vector<16xi1>, vector<16xi32>
      %parallel_loop3A_273 = arith.constant 7 : i32
      %parallel_loop3A_274 = vector.broadcast %parallel_loop3A_273 : i32 to vector<16xi32>
      %parallel_loop3A_275 = arith.constant 7168 : i32
      %parallel_loop3A_276 = arith.addi %parallel_loop3A_275, %parallel_loop3A_173 : i32
      %parallel_loop3A_277 = arith.index_cast %parallel_loop3A_276 : i32 to index
      %parallel_loop3A_278 = tpu.vector_load %arg7[%parallel_loop3A_277] {strides = array<i32>} : memref<8192xf32, #tpu.memory_space<vmem>>, vector<16xf32>,
      %parallel_loop3A_279 = arith.addf %parallel_loop3A_278, %gather3A_166 : vector<16xf32>
      %parallel_loop3A_280 = arith.cmpf ogt, %parallel_loop3A_279, %parallel_loop3A_271 : vector<16xf32>
      %parallel_loop3A_281 = arith.cmpf ogt, %parallel_loop3A_279, %parallel_loop3A_268 : vector<16xf32>
      %parallel_loop3A_282 = arith.select %parallel_loop3A_281, %parallel_loop3A_279, %parallel_loop3A_268 : vector<16xi1>, vector<16xf32>
      %parallel_loop3A_283 = arith.select %parallel_loop3A_280, %parallel_loop3A_271, %parallel_loop3A_282 : vector<16xi1>, vector<16xf32>
      %parallel_loop3A_284 = arith.select %parallel_loop3A_281, %parallel_loop3A_274, %parallel_loop3A_270 : vector<16xi1>, vector<16xi32>
      %parallel_loop3A_285 = arith.select %parallel_loop3A_280, %parallel_loop3A_272, %parallel_loop3A_284 : vector<16xi1>, vector<16xi32>
      %parallel_loop3A_286 = arith.select %parallel_loop3A_280, %parallel_loop3A_279, %parallel_loop3A_271 : vector<16xi1>, vector<16xf32>
      %parallel_loop3A_287 = arith.select %parallel_loop3A_280, %parallel_loop3A_274, %parallel_loop3A_272 : vector<16xi1>, vector<16xi32>
      %parallel_loop3A_288 = arith.subf %parallel_loop3A_283, %parallel_loop3A_286 : vector<16xf32>
      %parallel_loop3A_289 = math.exp %parallel_loop3A_288 : vector<16xf32>
      %parallel_loop3A_290 = arith.constant 1.000000e+00 : f32
      %parallel_loop3A_291 = vector.broadcast %parallel_loop3A_290 : f32 to vector<16xf32>
      %parallel_loop3A_292 = arith.addf %parallel_loop3A_291, %parallel_loop3A_289 : vector<16xf32>
      %parallel_loop3A_293 = arith.constant 1.000000e+00 : f32
      %parallel_loop3A_294 = vector.broadcast %parallel_loop3A_293 : f32 to vector<16xf32>
      %parallel_loop3A_295 = arith.divf %parallel_loop3A_294, %parallel_loop3A_292 : vector<16xf32>
      %parallel_loop3A_296 = arith.mulf %parallel_loop3A_289, %parallel_loop3A_295 : vector<16xf32>
      %parallel_loop3A_297 = arith.constant 8 : i32
      %parallel_loop3A_298 = arith.divsi %parallel_loop3A_171, %parallel_loop3A_297 : i32
      %parallel_loop3A_299 = arith.constant 0 : i32
      %parallel_loop3A_300 = arith.cmpi sgt, %parallel_loop3A_171, %parallel_loop3A_299 : i32
      %parallel_loop3A_301 = arith.extui %parallel_loop3A_300 : i1 to i32
      %parallel_loop3A_302 = arith.constant 0 : i32
      %parallel_loop3A_303 = arith.cmpi slt, %parallel_loop3A_171, %parallel_loop3A_302 : i32
      %parallel_loop3A_304 = arith.extui %parallel_loop3A_303 : i1 to i32
      %parallel_loop3A_305 = arith.subi %parallel_loop3A_301, %parallel_loop3A_304 : i32
      %parallel_loop3A_306 = arith.constant 0 : i32
      %parallel_loop3A_307 = arith.cmpi sgt, %parallel_loop3A_297, %parallel_loop3A_306 : i32
      %parallel_loop3A_308 = arith.extui %parallel_loop3A_307 : i1 to i32
      %parallel_loop3A_309 = arith.constant 0 : i32
      %parallel_loop3A_310 = arith.cmpi slt, %parallel_loop3A_297, %parallel_loop3A_309 : i32
      %parallel_loop3A_311 = arith.extui %parallel_loop3A_310 : i1 to i32
      %parallel_loop3A_312 = arith.subi %parallel_loop3A_308, %parallel_loop3A_311 : i32
      %parallel_loop3A_313 = arith.cmpi ne, %parallel_loop3A_305, %parallel_loop3A_312 : i32
      %parallel_loop3A_314 = arith.remsi %parallel_loop3A_171, %parallel_loop3A_297 : i32
      %parallel_loop3A_315 = arith.constant 0 : i32
      %parallel_loop3A_316 = arith.cmpi ne, %parallel_loop3A_314, %parallel_loop3A_315 : i32
      %parallel_loop3A_317 = arith.andi %parallel_loop3A_313, %parallel_loop3A_316 : i1
      %parallel_loop3A_318 = arith.constant 1 : i32
      %parallel_loop3A_319 = arith.subi %parallel_loop3A_298, %parallel_loop3A_318 : i32
      %parallel_loop3A_320 = arith.select %parallel_loop3A_317, %parallel_loop3A_319, %parallel_loop3A_298 : i32
      %parallel_loop3A_321 = arith.constant 256 : i32
      %parallel_loop3A_322 = arith.muli %parallel_loop3A_320, %parallel_loop3A_321 : i32
      %parallel_loop3A_323 = arith.constant 8 : i32
      %parallel_loop3A_324 = arith.constant 0 : i32
      %parallel_loop3A_325 = arith.cmpi eq, %parallel_loop3A_323, %parallel_loop3A_324 : i32
      %parallel_loop3A_326 = arith.constant 1 : i32
      %parallel_loop3A_327 = arith.select %parallel_loop3A_325, %parallel_loop3A_326, %parallel_loop3A_323 : i32
      %parallel_loop3A_328 = arith.remsi %parallel_loop3A_171, %parallel_loop3A_327 : i32
      %parallel_loop3A_329 = arith.constant 0 : i32
      %parallel_loop3A_330 = arith.cmpi ne, %parallel_loop3A_328, %parallel_loop3A_329 : i32
      %parallel_loop3A_331 = arith.constant 0 : i32
      %parallel_loop3A_332 = arith.cmpi slt, %parallel_loop3A_328, %parallel_loop3A_331 : i32
      %parallel_loop3A_333 = arith.constant 0 : i32
      %parallel_loop3A_334 = arith.cmpi slt, %parallel_loop3A_327, %parallel_loop3A_333 : i32
      %parallel_loop3A_335 = arith.xori %parallel_loop3A_332, %parallel_loop3A_334 : i1
      %parallel_loop3A_336 = arith.andi %parallel_loop3A_335, %parallel_loop3A_330 : i1
      %parallel_loop3A_337 = arith.addi %parallel_loop3A_328, %parallel_loop3A_327 : i32
      %parallel_loop3A_338 = arith.select %parallel_loop3A_336, %parallel_loop3A_337, %parallel_loop3A_328 : i32
      %parallel_loop3A_339 = arith.constant 16 : i32
      %parallel_loop3A_340 = arith.muli %parallel_loop3A_338, %parallel_loop3A_339 : i32
      %parallel_loop3A_341 = arith.addi %parallel_loop3A_322, %parallel_loop3A_340 : i32
      %parallel_loop3A_342 = arith.constant 128 : i32
      %parallel_loop3A_343 = arith.addi %parallel_loop3A_341, %parallel_loop3A_342 : i32
      %parallel_loop3A_344 = arith.index_cast %parallel_loop3A_341 : i32 to index
      %parallel_loop3A_345 = tpu.vector_load %arg10[%parallel_loop3A_344] {strides = array<i32>} : memref<2048xf32, #tpu.memory_space<vmem>>, vector<16xf32>,
      tpu.vector_store %arg10[%parallel_loop3A_344], %parallel_loop3A_286 {strides = array<i32>} : memref<2048xf32, #tpu.memory_space<vmem>>, vector<16xf32>,
      %parallel_loop3A_346 = arith.index_cast %parallel_loop3A_343 : i32 to index
      %parallel_loop3A_347 = tpu.vector_load %arg10[%parallel_loop3A_346] {strides = array<i32>} : memref<2048xf32, #tpu.memory_space<vmem>>, vector<16xf32>,
      tpu.vector_store %arg10[%parallel_loop3A_346], %parallel_loop3A_283 {strides = array<i32>} : memref<2048xf32, #tpu.memory_space<vmem>>, vector<16xf32>,
      %parallel_loop3A_348 = arith.index_cast %parallel_loop3A_341 : i32 to index
      %parallel_loop3A_349 = tpu.vector_load %arg9[%parallel_loop3A_348] {strides = array<i32>} : memref<2048xf32, #tpu.memory_space<vmem>>, vector<16xf32>,
      tpu.vector_store %arg9[%parallel_loop3A_348], %parallel_loop3A_295 {strides = array<i32>} : memref<2048xf32, #tpu.memory_space<vmem>>, vector<16xf32>,
      %parallel_loop3A_350 = arith.index_cast %parallel_loop3A_343 : i32 to index
      %parallel_loop3A_351 = tpu.vector_load %arg9[%parallel_loop3A_350] {strides = array<i32>} : memref<2048xf32, #tpu.memory_space<vmem>>, vector<16xf32>,
      tpu.vector_store %arg9[%parallel_loop3A_350], %parallel_loop3A_296 {strides = array<i32>} : memref<2048xf32, #tpu.memory_space<vmem>>, vector<16xf32>,
      %parallel_loop3A_352 = arith.index_cast %parallel_loop3A_341 : i32 to index
      %parallel_loop3A_353 = tpu.vector_load %arg11[%parallel_loop3A_352] {strides = array<i32>} : memref<2048xi32, #tpu.memory_space<vmem>>, vector<16xi32>,
      tpu.vector_store %arg11[%parallel_loop3A_352], %parallel_loop3A_287 {strides = array<i32>} : memref<2048xi32, #tpu.memory_space<vmem>>, vector<16xi32>,
      %parallel_loop3A_354 = arith.index_cast %parallel_loop3A_343 : i32 to index
      %parallel_loop3A_355 = tpu.vector_load %arg11[%parallel_loop3A_354] {strides = array<i32>} : memref<2048xi32, #tpu.memory_space<vmem>>, vector<16xi32>,
      tpu.vector_store %arg11[%parallel_loop3A_354], %parallel_loop3A_285 {strides = array<i32>} : memref<2048xi32, #tpu.memory_space<vmem>>, vector<16xi32>,
    } {sc.loop_unroll_factor = 8 : i64, sc.parallel_access}
    %mul3A_169 = arith.constant 2 : i32
    %mul3A_170 = arith.muli %mul3A_2, %mul3A_169 : i32
    "tpu.region"() ({
      %run_scoped3A = tpu.sem_alloc : memref<!tpu.dma_semaphore, #tpu.memory_space<semaphore_mem>>
      %dma_start3A_171 = tpu.memref_slice %arg4[%mul3A_170] : memref<65536xf32, #tpu.memory_space<hbm>> -> memref<2048xf32, #tpu.memory_space<hbm>>
      %dma_start3A_172 = tpu.memref_slice %arg4[%mul3A_170] : memref<65536xf32, #tpu.memory_space<hbm>> -> memref<2048xf32, #tpu.memory_space<hbm>>
      tpu.enqueue_dma source(%arg9 : memref<2048xf32, #tpu.memory_space<vmem>>) target(%dma_start3A_172 : memref<2048xf32, #tpu.memory_space<hbm>>) target_semaphore(%run_scoped3A : memref<!tpu.dma_semaphore, #tpu.memory_space<semaphore_mem>>)
      %dma_wait3A_173 = tpu.memref_slice %arg4[%mul3A_170] : memref<65536xf32, #tpu.memory_space<hbm>> -> memref<2048xf32, #tpu.memory_space<hbm>>
      %dma_wait3A_174 = tpu.memref_slice %arg4[%mul3A_170] : memref<65536xf32, #tpu.memory_space<hbm>> -> memref<2048xf32, #tpu.memory_space<hbm>>
      tpu.wait_dma2 semaphore(%run_scoped3A : memref<!tpu.dma_semaphore, #tpu.memory_space<semaphore_mem>>) src(%arg9 : memref<2048xf32, #tpu.memory_space<vmem>>) dst(%dma_wait3A_174 : memref<2048xf32, #tpu.memory_space<hbm>>)
      tpu.yield
    }) : () -> ()
    "tpu.region"() ({
      %run_scoped3A = tpu.sem_alloc : memref<!tpu.dma_semaphore, #tpu.memory_space<semaphore_mem>>
      %dma_start3A_171 = tpu.memref_slice %arg5[%mul3A_170] : memref<65536xf32, #tpu.memory_space<hbm>> -> memref<2048xf32, #tpu.memory_space<hbm>>
      %dma_start3A_172 = tpu.memref_slice %arg5[%mul3A_170] : memref<65536xf32, #tpu.memory_space<hbm>> -> memref<2048xf32, #tpu.memory_space<hbm>>
      tpu.enqueue_dma source(%arg10 : memref<2048xf32, #tpu.memory_space<vmem>>) target(%dma_start3A_172 : memref<2048xf32, #tpu.memory_space<hbm>>) target_semaphore(%run_scoped3A : memref<!tpu.dma_semaphore, #tpu.memory_space<semaphore_mem>>)
      %dma_wait3A_173 = tpu.memref_slice %arg5[%mul3A_170] : memref<65536xf32, #tpu.memory_space<hbm>> -> memref<2048xf32, #tpu.memory_space<hbm>>
      %dma_wait3A_174 = tpu.memref_slice %arg5[%mul3A_170] : memref<65536xf32, #tpu.memory_space<hbm>> -> memref<2048xf32, #tpu.memory_space<hbm>>
      tpu.wait_dma2 semaphore(%run_scoped3A : memref<!tpu.dma_semaphore, #tpu.memory_space<semaphore_mem>>) src(%arg10 : memref<2048xf32, #tpu.memory_space<vmem>>) dst(%dma_wait3A_174 : memref<2048xf32, #tpu.memory_space<hbm>>)
      tpu.yield
    }) : () -> ()
    "tpu.region"() ({
      %run_scoped3A = tpu.sem_alloc : memref<!tpu.dma_semaphore, #tpu.memory_space<semaphore_mem>>
      %dma_start3A_171 = tpu.memref_slice %arg6[%mul3A_170] : memref<65536xi32, #tpu.memory_space<hbm>> -> memref<2048xi32, #tpu.memory_space<hbm>>
      %dma_start3A_172 = tpu.memref_slice %arg6[%mul3A_170] : memref<65536xi32, #tpu.memory_space<hbm>> -> memref<2048xi32, #tpu.memory_space<hbm>>
      tpu.enqueue_dma source(%arg11 : memref<2048xi32, #tpu.memory_space<vmem>>) target(%dma_start3A_172 : memref<2048xi32, #tpu.memory_space<hbm>>) target_semaphore(%run_scoped3A : memref<!tpu.dma_semaphore, #tpu.memory_space<semaphore_mem>>)
      %dma_wait3A_173 = tpu.memref_slice %arg6[%mul3A_170] : memref<65536xi32, #tpu.memory_space<hbm>> -> memref<2048xi32, #tpu.memory_space<hbm>>
      %dma_wait3A_174 = tpu.memref_slice %arg6[%mul3A_170] : memref<65536xi32, #tpu.memory_space<hbm>> -> memref<2048xi32, #tpu.memory_space<hbm>>
      tpu.wait_dma2 semaphore(%run_scoped3A : memref<!tpu.dma_semaphore, #tpu.memory_space<semaphore_mem>>) src(%arg11 : memref<2048xi32, #tpu.memory_space<vmem>>) dst(%dma_wait3A_174 : memref<2048xi32, #tpu.memory_space<hbm>>)
      tpu.yield
    }) : () -> ()
    return
  }
}

module attributes {stable_mosaic.version = 14 : i64} {
  func.func @_matmul_body(%arg0: i32, %arg1: memref<32768x2048xf32, #tpu.memory_space<any>>, %arg2: memref<2048x8xf32, #tpu.memory_space<vmem>>, %arg3: memref<8x32768xf32, #tpu.memory_space<any>>, %arg4: memref<4x1024x2048xf32, #tpu.memory_space<vmem>>, %arg5: memref<2x8x1024xf32, #tpu.memory_space<vmem>>, %arg6: memref<4x!tpu.dma_semaphore, #tpu.memory_space<semaphore_mem>>, %arg7: memref<2x!tpu.dma_semaphore, #tpu.memory_space<semaphore_mem>>) attributes {dimension_semantics = [#tpu.dimension_semantics<arbitrary>], iteration_bounds = array<i64: 32>, scalar_prefetch = 0 : i64, scratch_operands = 4 : i64, tpu.core_type = #tpu.core_type<tc>, window_params = [{}, {pipeline_mode = #tpu.pipeline_mode<synchronous>, transform_indices = @transform_1, window_bounds = array<i64: 2048, 8>}, {}]} {
    %eq3A = arith.constant 0 : i32
    %eq3A_0 = arith.cmpi eq, %arg0, %eq3A : i32
    %convert_element_type3A = arith.extui %eq3A_0 : i1 to i32
    %cond3A = arith.constant 0 : i32
    %cond3A_1 = arith.cmpi ne, %convert_element_type3A, %cond3A : i32
    scf.if %cond3A_1 {
      %dma_start3A = arith.constant 0 : i32
      %dma_start3A_55 = arith.constant 0 : i32
      %dma_start3A_56 = tpu.memref_slice %arg6[%dma_start3A_55] : memref<4x!tpu.dma_semaphore, #tpu.memory_space<semaphore_mem>> -> memref<1x!tpu.dma_semaphore, #tpu.memory_space<semaphore_mem>>
      %dma_start3A_57 = tpu.memref_squeeze %dma_start3A_56 : memref<1x!tpu.dma_semaphore, #tpu.memory_space<semaphore_mem>> -> memref<!tpu.dma_semaphore, #tpu.memory_space<semaphore_mem>>
      %dma_start3A_58 = arith.constant 0 : i32
      %dma_start3A_59 = arith.constant 0 : i32
      %dma_start3A_60 = tpu.memref_slice %arg4[%dma_start3A, %dma_start3A_58, %dma_start3A_59] : memref<4x1024x2048xf32, #tpu.memory_space<vmem>> -> memref<1x1024x2048xf32, #tpu.memory_space<vmem>>
      %dma_start3A_61 = tpu.memref_squeeze %dma_start3A_60 : memref<1x1024x2048xf32, #tpu.memory_space<vmem>> -> memref<1024x2048xf32, #tpu.memory_space<vmem>>
      %dma_start3A_62 = arith.constant 0 : i32
      %dma_start3A_63 = arith.constant 0 : i32
      %dma_start3A_64 = tpu.memref_slice %arg1[%dma_start3A_62, %dma_start3A_63] : memref<32768x2048xf32, #tpu.memory_space<any>> -> memref<1024x2048xf32, #tpu.memory_space<any>>
      tpu.enqueue_dma source(%dma_start3A_64 : memref<1024x2048xf32, #tpu.memory_space<any>>) target(%dma_start3A_61 : memref<1024x2048xf32, #tpu.memory_space<vmem>>) target_semaphore(%dma_start3A_57 : memref<!tpu.dma_semaphore, #tpu.memory_space<semaphore_mem>>)
      %dma_start3A_65 = arith.constant 1 : i32
      %dma_start3A_66 = arith.constant 1 : i32
      %dma_start3A_67 = tpu.memref_slice %arg6[%dma_start3A_66] : memref<4x!tpu.dma_semaphore, #tpu.memory_space<semaphore_mem>> -> memref<1x!tpu.dma_semaphore, #tpu.memory_space<semaphore_mem>>
      %dma_start3A_68 = tpu.memref_squeeze %dma_start3A_67 : memref<1x!tpu.dma_semaphore, #tpu.memory_space<semaphore_mem>> -> memref<!tpu.dma_semaphore, #tpu.memory_space<semaphore_mem>>
      %dma_start3A_69 = arith.constant 0 : i32
      %dma_start3A_70 = arith.constant 0 : i32
      %dma_start3A_71 = tpu.memref_slice %arg4[%dma_start3A_65, %dma_start3A_69, %dma_start3A_70] : memref<4x1024x2048xf32, #tpu.memory_space<vmem>> -> memref<1x1024x2048xf32, #tpu.memory_space<vmem>>
      %dma_start3A_72 = tpu.memref_squeeze %dma_start3A_71 : memref<1x1024x2048xf32, #tpu.memory_space<vmem>> -> memref<1024x2048xf32, #tpu.memory_space<vmem>>
      %dma_start3A_73 = arith.constant 1024 : i32
      %dma_start3A_74 = arith.constant 0 : i32
      %dma_start3A_75 = tpu.memref_slice %arg1[%dma_start3A_73, %dma_start3A_74] : memref<32768x2048xf32, #tpu.memory_space<any>> -> memref<1024x2048xf32, #tpu.memory_space<any>>
      tpu.enqueue_dma source(%dma_start3A_75 : memref<1024x2048xf32, #tpu.memory_space<any>>) target(%dma_start3A_72 : memref<1024x2048xf32, #tpu.memory_space<vmem>>) target_semaphore(%dma_start3A_68 : memref<!tpu.dma_semaphore, #tpu.memory_space<semaphore_mem>>)
      %dma_start3A_76 = arith.constant 2 : i32
      %dma_start3A_77 = arith.constant 2 : i32
      %dma_start3A_78 = tpu.memref_slice %arg6[%dma_start3A_77] : memref<4x!tpu.dma_semaphore, #tpu.memory_space<semaphore_mem>> -> memref<1x!tpu.dma_semaphore, #tpu.memory_space<semaphore_mem>>
      %dma_start3A_79 = tpu.memref_squeeze %dma_start3A_78 : memref<1x!tpu.dma_semaphore, #tpu.memory_space<semaphore_mem>> -> memref<!tpu.dma_semaphore, #tpu.memory_space<semaphore_mem>>
      %dma_start3A_80 = arith.constant 0 : i32
      %dma_start3A_81 = arith.constant 0 : i32
      %dma_start3A_82 = tpu.memref_slice %arg4[%dma_start3A_76, %dma_start3A_80, %dma_start3A_81] : memref<4x1024x2048xf32, #tpu.memory_space<vmem>> -> memref<1x1024x2048xf32, #tpu.memory_space<vmem>>
      %dma_start3A_83 = tpu.memref_squeeze %dma_start3A_82 : memref<1x1024x2048xf32, #tpu.memory_space<vmem>> -> memref<1024x2048xf32, #tpu.memory_space<vmem>>
      %dma_start3A_84 = arith.constant 2048 : i32
      %dma_start3A_85 = arith.constant 0 : i32
      %dma_start3A_86 = tpu.memref_slice %arg1[%dma_start3A_84, %dma_start3A_85] : memref<32768x2048xf32, #tpu.memory_space<any>> -> memref<1024x2048xf32, #tpu.memory_space<any>>
      tpu.enqueue_dma source(%dma_start3A_86 : memref<1024x2048xf32, #tpu.memory_space<any>>) target(%dma_start3A_83 : memref<1024x2048xf32, #tpu.memory_space<vmem>>) target_semaphore(%dma_start3A_79 : memref<!tpu.dma_semaphore, #tpu.memory_space<semaphore_mem>>)
    } else {
    }
    %add3A = arith.constant 3 : i32
    %add3A_2 = arith.addi %arg0, %add3A : i32
    %lt3A = arith.constant 32 : i32
    %lt3A_3 = arith.cmpi slt, %add3A_2, %lt3A : i32
    %convert_element_type3A_4 = arith.extui %lt3A_3 : i1 to i32
    %cond3A_5 = arith.constant 0 : i32
    %cond3A_6 = arith.cmpi ne, %convert_element_type3A_4, %cond3A_5 : i32
    scf.if %cond3A_6 {
      %add3A_55 = arith.constant 3 : i32
      %add3A_56 = arith.addi %arg0, %add3A_55 : i32
      %rem3A_57 = arith.constant 4 : i32
      %rem3A_58 = arith.remsi %add3A_56, %rem3A_57 : i32
      %eq3A_59 = arith.constant 0 : i32
      %eq3A_60 = arith.cmpi eq, %rem3A_58, %eq3A_59 : i32
      %convert_element_type3A_61 = arith.extui %eq3A_60 : i1 to i32
      %cond3A_62 = arith.constant 0 : i32
      %cond3A_63 = arith.cmpi ne, %convert_element_type3A_61, %cond3A_62 : i32
      scf.if %cond3A_63 {
        %mul3A = arith.constant 1024 : i32
        %mul3A_85 = arith.muli %add3A_56, %mul3A : i32
        %dma_start3A = arith.constant 0 : i32
        %dma_start3A_86 = arith.constant 0 : i32
        %dma_start3A_87 = tpu.memref_slice %arg6[%dma_start3A_86] : memref<4x!tpu.dma_semaphore, #tpu.memory_space<semaphore_mem>> -> memref<1x!tpu.dma_semaphore, #tpu.memory_space<semaphore_mem>>
        %dma_start3A_88 = tpu.memref_squeeze %dma_start3A_87 : memref<1x!tpu.dma_semaphore, #tpu.memory_space<semaphore_mem>> -> memref<!tpu.dma_semaphore, #tpu.memory_space<semaphore_mem>>
        %dma_start3A_89 = arith.constant 0 : i32
        %dma_start3A_90 = arith.constant 0 : i32
        %dma_start3A_91 = tpu.memref_slice %arg4[%dma_start3A, %dma_start3A_89, %dma_start3A_90] : memref<4x1024x2048xf32, #tpu.memory_space<vmem>> -> memref<1x1024x2048xf32, #tpu.memory_space<vmem>>
        %dma_start3A_92 = tpu.memref_squeeze %dma_start3A_91 : memref<1x1024x2048xf32, #tpu.memory_space<vmem>> -> memref<1024x2048xf32, #tpu.memory_space<vmem>>
        %dma_start3A_93 = arith.constant 0 : i32
        %dma_start3A_94 = tpu.memref_slice %arg1[%mul3A_85, %dma_start3A_93] : memref<32768x2048xf32, #tpu.memory_space<any>> -> memref<1024x2048xf32, #tpu.memory_space<any>>
        tpu.enqueue_dma source(%dma_start3A_94 : memref<1024x2048xf32, #tpu.memory_space<any>>) target(%dma_start3A_92 : memref<1024x2048xf32, #tpu.memory_space<vmem>>) target_semaphore(%dma_start3A_88 : memref<!tpu.dma_semaphore, #tpu.memory_space<semaphore_mem>>)
      } else {
      }
      %rem3A_64 = arith.constant 4 : i32
      %rem3A_65 = arith.remsi %add3A_56, %rem3A_64 : i32
      %eq3A_66 = arith.constant 1 : i32
      %eq3A_67 = arith.cmpi eq, %rem3A_65, %eq3A_66 : i32
      %convert_element_type3A_68 = arith.extui %eq3A_67 : i1 to i32
      %cond3A_69 = arith.constant 0 : i32
      %cond3A_70 = arith.cmpi ne, %convert_element_type3A_68, %cond3A_69 : i32
      scf.if %cond3A_70 {
        %mul3A = arith.constant 1024 : i32
        %mul3A_85 = arith.muli %add3A_56, %mul3A : i32
        %dma_start3A = arith.constant 1 : i32
        %dma_start3A_86 = arith.constant 1 : i32
        %dma_start3A_87 = tpu.memref_slice %arg6[%dma_start3A_86] : memref<4x!tpu.dma_semaphore, #tpu.memory_space<semaphore_mem>> -> memref<1x!tpu.dma_semaphore, #tpu.memory_space<semaphore_mem>>
        %dma_start3A_88 = tpu.memref_squeeze %dma_start3A_87 : memref<1x!tpu.dma_semaphore, #tpu.memory_space<semaphore_mem>> -> memref<!tpu.dma_semaphore, #tpu.memory_space<semaphore_mem>>
        %dma_start3A_89 = arith.constant 0 : i32
        %dma_start3A_90 = arith.constant 0 : i32
        %dma_start3A_91 = tpu.memref_slice %arg4[%dma_start3A, %dma_start3A_89, %dma_start3A_90] : memref<4x1024x2048xf32, #tpu.memory_space<vmem>> -> memref<1x1024x2048xf32, #tpu.memory_space<vmem>>
        %dma_start3A_92 = tpu.memref_squeeze %dma_start3A_91 : memref<1x1024x2048xf32, #tpu.memory_space<vmem>> -> memref<1024x2048xf32, #tpu.memory_space<vmem>>
        %dma_start3A_93 = arith.constant 0 : i32
        %dma_start3A_94 = tpu.memref_slice %arg1[%mul3A_85, %dma_start3A_93] : memref<32768x2048xf32, #tpu.memory_space<any>> -> memref<1024x2048xf32, #tpu.memory_space<any>>
        tpu.enqueue_dma source(%dma_start3A_94 : memref<1024x2048xf32, #tpu.memory_space<any>>) target(%dma_start3A_92 : memref<1024x2048xf32, #tpu.memory_space<vmem>>) target_semaphore(%dma_start3A_88 : memref<!tpu.dma_semaphore, #tpu.memory_space<semaphore_mem>>)
      } else {
      }
      %rem3A_71 = arith.constant 4 : i32
      %rem3A_72 = arith.remsi %add3A_56, %rem3A_71 : i32
      %eq3A_73 = arith.constant 2 : i32
      %eq3A_74 = arith.cmpi eq, %rem3A_72, %eq3A_73 : i32
      %convert_element_type3A_75 = arith.extui %eq3A_74 : i1 to i32
      %cond3A_76 = arith.constant 0 : i32
      %cond3A_77 = arith.cmpi ne, %convert_element_type3A_75, %cond3A_76 : i32
      scf.if %cond3A_77 {
        %mul3A = arith.constant 1024 : i32
        %mul3A_85 = arith.muli %add3A_56, %mul3A : i32
        %dma_start3A = arith.constant 2 : i32
        %dma_start3A_86 = arith.constant 2 : i32
        %dma_start3A_87 = tpu.memref_slice %arg6[%dma_start3A_86] : memref<4x!tpu.dma_semaphore, #tpu.memory_space<semaphore_mem>> -> memref<1x!tpu.dma_semaphore, #tpu.memory_space<semaphore_mem>>
        %dma_start3A_88 = tpu.memref_squeeze %dma_start3A_87 : memref<1x!tpu.dma_semaphore, #tpu.memory_space<semaphore_mem>> -> memref<!tpu.dma_semaphore, #tpu.memory_space<semaphore_mem>>
        %dma_start3A_89 = arith.constant 0 : i32
        %dma_start3A_90 = arith.constant 0 : i32
        %dma_start3A_91 = tpu.memref_slice %arg4[%dma_start3A, %dma_start3A_89, %dma_start3A_90] : memref<4x1024x2048xf32, #tpu.memory_space<vmem>> -> memref<1x1024x2048xf32, #tpu.memory_space<vmem>>
        %dma_start3A_92 = tpu.memref_squeeze %dma_start3A_91 : memref<1x1024x2048xf32, #tpu.memory_space<vmem>> -> memref<1024x2048xf32, #tpu.memory_space<vmem>>
        %dma_start3A_93 = arith.constant 0 : i32
        %dma_start3A_94 = tpu.memref_slice %arg1[%mul3A_85, %dma_start3A_93] : memref<32768x2048xf32, #tpu.memory_space<any>> -> memref<1024x2048xf32, #tpu.memory_space<any>>
        tpu.enqueue_dma source(%dma_start3A_94 : memref<1024x2048xf32, #tpu.memory_space<any>>) target(%dma_start3A_92 : memref<1024x2048xf32, #tpu.memory_space<vmem>>) target_semaphore(%dma_start3A_88 : memref<!tpu.dma_semaphore, #tpu.memory_space<semaphore_mem>>)
      } else {
      }
      %rem3A_78 = arith.constant 4 : i32
      %rem3A_79 = arith.remsi %add3A_56, %rem3A_78 : i32
      %eq3A_80 = arith.constant 3 : i32
      %eq3A_81 = arith.cmpi eq, %rem3A_79, %eq3A_80 : i32
      %convert_element_type3A_82 = arith.extui %eq3A_81 : i1 to i32
      %cond3A_83 = arith.constant 0 : i32
      %cond3A_84 = arith.cmpi ne, %convert_element_type3A_82, %cond3A_83 : i32
      scf.if %cond3A_84 {
        %mul3A = arith.constant 1024 : i32
        %mul3A_85 = arith.muli %add3A_56, %mul3A : i32
        %dma_start3A = arith.constant 3 : i32
        %dma_start3A_86 = arith.constant 3 : i32
        %dma_start3A_87 = tpu.memref_slice %arg6[%dma_start3A_86] : memref<4x!tpu.dma_semaphore, #tpu.memory_space<semaphore_mem>> -> memref<1x!tpu.dma_semaphore, #tpu.memory_space<semaphore_mem>>
        %dma_start3A_88 = tpu.memref_squeeze %dma_start3A_87 : memref<1x!tpu.dma_semaphore, #tpu.memory_space<semaphore_mem>> -> memref<!tpu.dma_semaphore, #tpu.memory_space<semaphore_mem>>
        %dma_start3A_89 = arith.constant 0 : i32
        %dma_start3A_90 = arith.constant 0 : i32
        %dma_start3A_91 = tpu.memref_slice %arg4[%dma_start3A, %dma_start3A_89, %dma_start3A_90] : memref<4x1024x2048xf32, #tpu.memory_space<vmem>> -> memref<1x1024x2048xf32, #tpu.memory_space<vmem>>
        %dma_start3A_92 = tpu.memref_squeeze %dma_start3A_91 : memref<1x1024x2048xf32, #tpu.memory_space<vmem>> -> memref<1024x2048xf32, #tpu.memory_space<vmem>>
        %dma_start3A_93 = arith.constant 0 : i32
        %dma_start3A_94 = tpu.memref_slice %arg1[%mul3A_85, %dma_start3A_93] : memref<32768x2048xf32, #tpu.memory_space<any>> -> memref<1024x2048xf32, #tpu.memory_space<any>>
        tpu.enqueue_dma source(%dma_start3A_94 : memref<1024x2048xf32, #tpu.memory_space<any>>) target(%dma_start3A_92 : memref<1024x2048xf32, #tpu.memory_space<vmem>>) target_semaphore(%dma_start3A_88 : memref<!tpu.dma_semaphore, #tpu.memory_space<semaphore_mem>>)
      } else {
      }
    } else {
    }
    %rem3A = arith.constant 2 : i32
    %rem3A_7 = arith.remsi %arg0, %rem3A : i32
    %ge3A = arith.constant 2 : i32
    %ge3A_8 = arith.cmpi sge, %arg0, %ge3A : i32
    %eq3A_9 = arith.constant 0 : i32
    %eq3A_10 = arith.cmpi eq, %rem3A_7, %eq3A_9 : i32
    %and3A = arith.andi %ge3A_8, %eq3A_10 : i1
    %convert_element_type3A_11 = arith.extui %and3A : i1 to i32
    %cond3A_12 = arith.constant 0 : i32
    %cond3A_13 = arith.cmpi ne, %convert_element_type3A_11, %cond3A_12 : i32
    scf.if %cond3A_13 {
      %sub3A = arith.constant 2 : i32
      %sub3A_55 = arith.subi %arg0, %sub3A : i32
      %mul3A = arith.constant 1024 : i32
      %mul3A_56 = arith.muli %sub3A_55, %mul3A : i32
      %dma_wait3A = arith.constant 0 : i32
      %dma_wait3A_57 = arith.constant 0 : i32
      %dma_wait3A_58 = tpu.memref_slice %arg7[%dma_wait3A_57] : memref<2x!tpu.dma_semaphore, #tpu.memory_space<semaphore_mem>> -> memref<1x!tpu.dma_semaphore, #tpu.memory_space<semaphore_mem>>
      %dma_wait3A_59 = tpu.memref_squeeze %dma_wait3A_58 : memref<1x!tpu.dma_semaphore, #tpu.memory_space<semaphore_mem>> -> memref<!tpu.dma_semaphore, #tpu.memory_space<semaphore_mem>>
      %dma_wait3A_60 = arith.constant 0 : i32
      %dma_wait3A_61 = tpu.memref_slice %arg3[%dma_wait3A_60, %mul3A_56] : memref<8x32768xf32, #tpu.memory_space<any>> -> memref<8x1024xf32, #tpu.memory_space<any>>
      %dma_wait3A_62 = arith.constant 0 : i32
      %dma_wait3A_63 = arith.constant 0 : i32
      %dma_wait3A_64 = tpu.memref_slice %arg5[%dma_wait3A, %dma_wait3A_62, %dma_wait3A_63] : memref<2x8x1024xf32, #tpu.memory_space<vmem>> -> memref<1x8x1024xf32, #tpu.memory_space<vmem>>
      %dma_wait3A_65 = tpu.memref_squeeze %dma_wait3A_64 : memref<1x8x1024xf32, #tpu.memory_space<vmem>> -> memref<8x1024xf32, #tpu.memory_space<vmem>>
      tpu.wait_dma2 semaphore(%dma_wait3A_59 : memref<!tpu.dma_semaphore, #tpu.memory_space<semaphore_mem>>) src(%dma_wait3A_65 : memref<8x1024xf32, #tpu.memory_space<vmem>>) dst(%dma_wait3A_61 : memref<8x1024xf32, #tpu.memory_space<any>>)
    } else {
    }
    %ge3A_14 = arith.constant 2 : i32
    %ge3A_15 = arith.cmpi sge, %arg0, %ge3A_14 : i32
    %eq3A_16 = arith.constant 1 : i32
    %eq3A_17 = arith.cmpi eq, %rem3A_7, %eq3A_16 : i32
    %and3A_18 = arith.andi %ge3A_15, %eq3A_17 : i1
    %convert_element_type3A_19 = arith.extui %and3A_18 : i1 to i32
    %cond3A_20 = arith.constant 0 : i32
    %cond3A_21 = arith.cmpi ne, %convert_element_type3A_19, %cond3A_20 : i32
    scf.if %cond3A_21 {
      %sub3A = arith.constant 2 : i32
      %sub3A_55 = arith.subi %arg0, %sub3A : i32
      %mul3A = arith.constant 1024 : i32
      %mul3A_56 = arith.muli %sub3A_55, %mul3A : i32
      %dma_wait3A = arith.constant 1 : i32
      %dma_wait3A_57 = arith.constant 1 : i32
      %dma_wait3A_58 = tpu.memref_slice %arg7[%dma_wait3A_57] : memref<2x!tpu.dma_semaphore, #tpu.memory_space<semaphore_mem>> -> memref<1x!tpu.dma_semaphore, #tpu.memory_space<semaphore_mem>>
      %dma_wait3A_59 = tpu.memref_squeeze %dma_wait3A_58 : memref<1x!tpu.dma_semaphore, #tpu.memory_space<semaphore_mem>> -> memref<!tpu.dma_semaphore, #tpu.memory_space<semaphore_mem>>
      %dma_wait3A_60 = arith.constant 0 : i32
      %dma_wait3A_61 = tpu.memref_slice %arg3[%dma_wait3A_60, %mul3A_56] : memref<8x32768xf32, #tpu.memory_space<any>> -> memref<8x1024xf32, #tpu.memory_space<any>>
      %dma_wait3A_62 = arith.constant 0 : i32
      %dma_wait3A_63 = arith.constant 0 : i32
      %dma_wait3A_64 = tpu.memref_slice %arg5[%dma_wait3A, %dma_wait3A_62, %dma_wait3A_63] : memref<2x8x1024xf32, #tpu.memory_space<vmem>> -> memref<1x8x1024xf32, #tpu.memory_space<vmem>>
      %dma_wait3A_65 = tpu.memref_squeeze %dma_wait3A_64 : memref<1x8x1024xf32, #tpu.memory_space<vmem>> -> memref<8x1024xf32, #tpu.memory_space<vmem>>
      tpu.wait_dma2 semaphore(%dma_wait3A_59 : memref<!tpu.dma_semaphore, #tpu.memory_space<semaphore_mem>>) src(%dma_wait3A_65 : memref<8x1024xf32, #tpu.memory_space<vmem>>) dst(%dma_wait3A_61 : memref<8x1024xf32, #tpu.memory_space<any>>)
    } else {
    }
    %rem3A_22 = arith.constant 4 : i32
    %rem3A_23 = arith.remsi %arg0, %rem3A_22 : i32
    %eq3A_24 = arith.constant 0 : i32
    %eq3A_25 = arith.cmpi eq, %rem3A_23, %eq3A_24 : i32
    %convert_element_type3A_26 = arith.extui %eq3A_25 : i1 to i32
    %cond3A_27 = arith.constant 0 : i32
    %cond3A_28 = arith.cmpi ne, %convert_element_type3A_26, %cond3A_27 : i32
    scf.if %cond3A_28 {
      %mul3A = arith.constant 1024 : i32
      %mul3A_55 = arith.muli %arg0, %mul3A : i32
      %dma_wait3A = arith.constant 0 : i32
      %dma_wait3A_56 = arith.constant 0 : i32
      %dma_wait3A_57 = tpu.memref_slice %arg6[%dma_wait3A_56] : memref<4x!tpu.dma_semaphore, #tpu.memory_space<semaphore_mem>> -> memref<1x!tpu.dma_semaphore, #tpu.memory_space<semaphore_mem>>
      %dma_wait3A_58 = tpu.memref_squeeze %dma_wait3A_57 : memref<1x!tpu.dma_semaphore, #tpu.memory_space<semaphore_mem>> -> memref<!tpu.dma_semaphore, #tpu.memory_space<semaphore_mem>>
      %dma_wait3A_59 = arith.constant 0 : i32
      %dma_wait3A_60 = arith.constant 0 : i32
      %dma_wait3A_61 = tpu.memref_slice %arg4[%dma_wait3A, %dma_wait3A_59, %dma_wait3A_60] : memref<4x1024x2048xf32, #tpu.memory_space<vmem>> -> memref<1x1024x2048xf32, #tpu.memory_space<vmem>>
      %dma_wait3A_62 = tpu.memref_squeeze %dma_wait3A_61 : memref<1x1024x2048xf32, #tpu.memory_space<vmem>> -> memref<1024x2048xf32, #tpu.memory_space<vmem>>
      %dma_wait3A_63 = arith.constant 0 : i32
      %dma_wait3A_64 = tpu.memref_slice %arg1[%mul3A_55, %dma_wait3A_63] : memref<32768x2048xf32, #tpu.memory_space<any>> -> memref<1024x2048xf32, #tpu.memory_space<any>>
      tpu.wait_dma2 semaphore(%dma_wait3A_58 : memref<!tpu.dma_semaphore, #tpu.memory_space<semaphore_mem>>) src(%dma_wait3A_64 : memref<1024x2048xf32, #tpu.memory_space<any>>) dst(%dma_wait3A_62 : memref<1024x2048xf32, #tpu.memory_space<vmem>>)
      %eq3A_65 = arith.constant 0 : i32
      %eq3A_66 = arith.cmpi eq, %rem3A_7, %eq3A_65 : i32
      %convert_element_type3A_67 = arith.extui %eq3A_66 : i1 to i32
      %cond3A_68 = arith.constant 0 : i32
      %cond3A_69 = arith.cmpi ne, %convert_element_type3A_67, %cond3A_68 : i32
      scf.if %cond3A_69 {
        %get3A = arith.constant 0 : index
        %get3A_75 = arith.constant 0 : index
        %get3A_76 = vector.load %arg2[%get3A, %get3A_75] : memref<2048x8xf32, #tpu.memory_space<vmem>>, vector<2048x8xf32>
        %get3A_77 = arith.constant 0 : index
        %get3A_78 = arith.constant 0 : index
        %get3A_79 = arith.constant 0 : index
        %get3A_80 = vector.load %arg4[%get3A_77, %get3A_78, %get3A_79] : memref<4x1024x2048xf32, #tpu.memory_space<vmem>>, vector<1x1024x2048xf32>
        %get3A_81 = vector.shape_cast %get3A_80 : vector<1x1024x2048xf32> to vector<1024x2048xf32>
        %dot_general3A = arith.constant dense<0.000000e+00> : vector<8x1024xf32>
        %dot_general3A_82 = tpu.matmul %get3A_76, %get3A_81, %dot_general3A {dimension_numbers = #tpu.dot_dimension_numbers<[0], [1], [1], [0], [0, 1, 1, 0], [], []>, transpose_lhs_hint = false} : vector<2048x8xf32>, vector<1024x2048xf32>, vector<8x1024xf32> -> vector<8x1024xf32>
        %swap3A = arith.constant 0 : index
        %swap3A_83 = arith.constant 0 : index
        %swap3A_84 = arith.constant 0 : index
        %swap3A_85 = vector.load %arg5[%swap3A, %swap3A_83, %swap3A_84] : memref<2x8x1024xf32, #tpu.memory_space<vmem>>, vector<1x8x1024xf32>
        %swap3A_86 = vector.shape_cast %swap3A_85 : vector<1x8x1024xf32> to vector<8x1024xf32>
        %swap3A_87 = vector.shape_cast %dot_general3A_82 : vector<8x1024xf32> to vector<1x8x1024xf32>
        tpu.vector_store %arg5[%swap3A, %swap3A_83, %swap3A_84], %swap3A_87 {strides = array<i32>} : memref<2x8x1024xf32, #tpu.memory_space<vmem>>, vector<1x8x1024xf32>,
        %mul3A_88 = arith.constant 1024 : i32
        %mul3A_89 = arith.muli %arg0, %mul3A_88 : i32
        %dma_start3A = arith.constant 0 : i32
        %dma_start3A_90 = arith.constant 0 : i32
        %dma_start3A_91 = tpu.memref_slice %arg7[%dma_start3A_90] : memref<2x!tpu.dma_semaphore, #tpu.memory_space<semaphore_mem>> -> memref<1x!tpu.dma_semaphore, #tpu.memory_space<semaphore_mem>>
        %dma_start3A_92 = tpu.memref_squeeze %dma_start3A_91 : memref<1x!tpu.dma_semaphore, #tpu.memory_space<semaphore_mem>> -> memref<!tpu.dma_semaphore, #tpu.memory_space<semaphore_mem>>
        %dma_start3A_93 = arith.constant 0 : i32
        %dma_start3A_94 = tpu.memref_slice %arg3[%dma_start3A_93, %mul3A_89] : memref<8x32768xf32, #tpu.memory_space<any>> -> memref<8x1024xf32, #tpu.memory_space<any>>
        %dma_start3A_95 = arith.constant 0 : i32
        %dma_start3A_96 = arith.constant 0 : i32
        %dma_start3A_97 = tpu.memref_slice %arg5[%dma_start3A, %dma_start3A_95, %dma_start3A_96] : memref<2x8x1024xf32, #tpu.memory_space<vmem>> -> memref<1x8x1024xf32, #tpu.memory_space<vmem>>
        %dma_start3A_98 = tpu.memref_squeeze %dma_start3A_97 : memref<1x8x1024xf32, #tpu.memory_space<vmem>> -> memref<8x1024xf32, #tpu.memory_space<vmem>>
        tpu.enqueue_dma source(%dma_start3A_98 : memref<8x1024xf32, #tpu.memory_space<vmem>>) target(%dma_start3A_94 : memref<8x1024xf32, #tpu.memory_space<any>>) target_semaphore(%dma_start3A_92 : memref<!tpu.dma_semaphore, #tpu.memory_space<semaphore_mem>>)
      } else {
      }
      %eq3A_70 = arith.constant 1 : i32
      %eq3A_71 = arith.cmpi eq, %rem3A_7, %eq3A_70 : i32
      %convert_element_type3A_72 = arith.extui %eq3A_71 : i1 to i32
      %cond3A_73 = arith.constant 0 : i32
      %cond3A_74 = arith.cmpi ne, %convert_element_type3A_72, %cond3A_73 : i32
      scf.if %cond3A_74 {
        %get3A = arith.constant 0 : index
        %get3A_75 = arith.constant 0 : index
        %get3A_76 = vector.load %arg2[%get3A, %get3A_75] : memref<2048x8xf32, #tpu.memory_space<vmem>>, vector<2048x8xf32>
        %get3A_77 = arith.constant 0 : index
        %get3A_78 = arith.constant 0 : index
        %get3A_79 = arith.constant 0 : index
        %get3A_80 = vector.load %arg4[%get3A_77, %get3A_78, %get3A_79] : memref<4x1024x2048xf32, #tpu.memory_space<vmem>>, vector<1x1024x2048xf32>
        %get3A_81 = vector.shape_cast %get3A_80 : vector<1x1024x2048xf32> to vector<1024x2048xf32>
        %dot_general3A = arith.constant dense<0.000000e+00> : vector<8x1024xf32>
        %dot_general3A_82 = tpu.matmul %get3A_76, %get3A_81, %dot_general3A {dimension_numbers = #tpu.dot_dimension_numbers<[0], [1], [1], [0], [0, 1, 1, 0], [], []>, transpose_lhs_hint = false} : vector<2048x8xf32>, vector<1024x2048xf32>, vector<8x1024xf32> -> vector<8x1024xf32>
        %swap3A = arith.constant 1 : index
        %swap3A_83 = arith.constant 0 : index
        %swap3A_84 = arith.constant 0 : index
        %swap3A_85 = vector.load %arg5[%swap3A, %swap3A_83, %swap3A_84] : memref<2x8x1024xf32, #tpu.memory_space<vmem>>, vector<1x8x1024xf32>
        %swap3A_86 = vector.shape_cast %swap3A_85 : vector<1x8x1024xf32> to vector<8x1024xf32>
        %swap3A_87 = vector.shape_cast %dot_general3A_82 : vector<8x1024xf32> to vector<1x8x1024xf32>
        tpu.vector_store %arg5[%swap3A, %swap3A_83, %swap3A_84], %swap3A_87 {strides = array<i32>} : memref<2x8x1024xf32, #tpu.memory_space<vmem>>, vector<1x8x1024xf32>,
        %mul3A_88 = arith.constant 1024 : i32
        %mul3A_89 = arith.muli %arg0, %mul3A_88 : i32
        %dma_start3A = arith.constant 1 : i32
        %dma_start3A_90 = arith.constant 1 : i32
        %dma_start3A_91 = tpu.memref_slice %arg7[%dma_start3A_90] : memref<2x!tpu.dma_semaphore, #tpu.memory_space<semaphore_mem>> -> memref<1x!tpu.dma_semaphore, #tpu.memory_space<semaphore_mem>>
        %dma_start3A_92 = tpu.memref_squeeze %dma_start3A_91 : memref<1x!tpu.dma_semaphore, #tpu.memory_space<semaphore_mem>> -> memref<!tpu.dma_semaphore, #tpu.memory_space<semaphore_mem>>
        %dma_start3A_93 = arith.constant 0 : i32
        %dma_start3A_94 = tpu.memref_slice %arg3[%dma_start3A_93, %mul3A_89] : memref<8x32768xf32, #tpu.memory_space<any>> -> memref<8x1024xf32, #tpu.memory_space<any>>
        %dma_start3A_95 = arith.constant 0 : i32
        %dma_start3A_96 = arith.constant 0 : i32
        %dma_start3A_97 = tpu.memref_slice %arg5[%dma_start3A, %dma_start3A_95, %dma_start3A_96] : memref<2x8x1024xf32, #tpu.memory_space<vmem>> -> memref<1x8x1024xf32, #tpu.memory_space<vmem>>
        %dma_start3A_98 = tpu.memref_squeeze %dma_start3A_97 : memref<1x8x1024xf32, #tpu.memory_space<vmem>> -> memref<8x1024xf32, #tpu.memory_space<vmem>>
        tpu.enqueue_dma source(%dma_start3A_98 : memref<8x1024xf32, #tpu.memory_space<vmem>>) target(%dma_start3A_94 : memref<8x1024xf32, #tpu.memory_space<any>>) target_semaphore(%dma_start3A_92 : memref<!tpu.dma_semaphore, #tpu.memory_space<semaphore_mem>>)
      } else {
      }
    } else {
    }
    %rem3A_29 = arith.constant 4 : i32
    %rem3A_30 = arith.remsi %arg0, %rem3A_29 : i32
    %eq3A_31 = arith.constant 1 : i32
    %eq3A_32 = arith.cmpi eq, %rem3A_30, %eq3A_31 : i32
    %convert_element_type3A_33 = arith.extui %eq3A_32 : i1 to i32
    %cond3A_34 = arith.constant 0 : i32
    %cond3A_35 = arith.cmpi ne, %convert_element_type3A_33, %cond3A_34 : i32
    scf.if %cond3A_35 {
      %mul3A = arith.constant 1024 : i32
      %mul3A_55 = arith.muli %arg0, %mul3A : i32
      %dma_wait3A = arith.constant 1 : i32
      %dma_wait3A_56 = arith.constant 1 : i32
      %dma_wait3A_57 = tpu.memref_slice %arg6[%dma_wait3A_56] : memref<4x!tpu.dma_semaphore, #tpu.memory_space<semaphore_mem>> -> memref<1x!tpu.dma_semaphore, #tpu.memory_space<semaphore_mem>>
      %dma_wait3A_58 = tpu.memref_squeeze %dma_wait3A_57 : memref<1x!tpu.dma_semaphore, #tpu.memory_space<semaphore_mem>> -> memref<!tpu.dma_semaphore, #tpu.memory_space<semaphore_mem>>
      %dma_wait3A_59 = arith.constant 0 : i32
      %dma_wait3A_60 = arith.constant 0 : i32
      %dma_wait3A_61 = tpu.memref_slice %arg4[%dma_wait3A, %dma_wait3A_59, %dma_wait3A_60] : memref<4x1024x2048xf32, #tpu.memory_space<vmem>> -> memref<1x1024x2048xf32, #tpu.memory_space<vmem>>
      %dma_wait3A_62 = tpu.memref_squeeze %dma_wait3A_61 : memref<1x1024x2048xf32, #tpu.memory_space<vmem>> -> memref<1024x2048xf32, #tpu.memory_space<vmem>>
      %dma_wait3A_63 = arith.constant 0 : i32
      %dma_wait3A_64 = tpu.memref_slice %arg1[%mul3A_55, %dma_wait3A_63] : memref<32768x2048xf32, #tpu.memory_space<any>> -> memref<1024x2048xf32, #tpu.memory_space<any>>
      tpu.wait_dma2 semaphore(%dma_wait3A_58 : memref<!tpu.dma_semaphore, #tpu.memory_space<semaphore_mem>>) src(%dma_wait3A_64 : memref<1024x2048xf32, #tpu.memory_space<any>>) dst(%dma_wait3A_62 : memref<1024x2048xf32, #tpu.memory_space<vmem>>)
      %eq3A_65 = arith.constant 0 : i32
      %eq3A_66 = arith.cmpi eq, %rem3A_7, %eq3A_65 : i32
      %convert_element_type3A_67 = arith.extui %eq3A_66 : i1 to i32
      %cond3A_68 = arith.constant 0 : i32
      %cond3A_69 = arith.cmpi ne, %convert_element_type3A_67, %cond3A_68 : i32
      scf.if %cond3A_69 {
        %get3A = arith.constant 0 : index
        %get3A_75 = arith.constant 0 : index
        %get3A_76 = vector.load %arg2[%get3A, %get3A_75] : memref<2048x8xf32, #tpu.memory_space<vmem>>, vector<2048x8xf32>
        %get3A_77 = arith.constant 1 : index
        %get3A_78 = arith.constant 0 : index
        %get3A_79 = arith.constant 0 : index
        %get3A_80 = vector.load %arg4[%get3A_77, %get3A_78, %get3A_79] : memref<4x1024x2048xf32, #tpu.memory_space<vmem>>, vector<1x1024x2048xf32>
        %get3A_81 = vector.shape_cast %get3A_80 : vector<1x1024x2048xf32> to vector<1024x2048xf32>
        %dot_general3A = arith.constant dense<0.000000e+00> : vector<8x1024xf32>
        %dot_general3A_82 = tpu.matmul %get3A_76, %get3A_81, %dot_general3A {dimension_numbers = #tpu.dot_dimension_numbers<[0], [1], [1], [0], [0, 1, 1, 0], [], []>, transpose_lhs_hint = false} : vector<2048x8xf32>, vector<1024x2048xf32>, vector<8x1024xf32> -> vector<8x1024xf32>
        %swap3A = arith.constant 0 : index
        %swap3A_83 = arith.constant 0 : index
        %swap3A_84 = arith.constant 0 : index
        %swap3A_85 = vector.load %arg5[%swap3A, %swap3A_83, %swap3A_84] : memref<2x8x1024xf32, #tpu.memory_space<vmem>>, vector<1x8x1024xf32>
        %swap3A_86 = vector.shape_cast %swap3A_85 : vector<1x8x1024xf32> to vector<8x1024xf32>
        %swap3A_87 = vector.shape_cast %dot_general3A_82 : vector<8x1024xf32> to vector<1x8x1024xf32>
        tpu.vector_store %arg5[%swap3A, %swap3A_83, %swap3A_84], %swap3A_87 {strides = array<i32>} : memref<2x8x1024xf32, #tpu.memory_space<vmem>>, vector<1x8x1024xf32>,
        %mul3A_88 = arith.constant 1024 : i32
        %mul3A_89 = arith.muli %arg0, %mul3A_88 : i32
        %dma_start3A = arith.constant 0 : i32
        %dma_start3A_90 = arith.constant 0 : i32
        %dma_start3A_91 = tpu.memref_slice %arg7[%dma_start3A_90] : memref<2x!tpu.dma_semaphore, #tpu.memory_space<semaphore_mem>> -> memref<1x!tpu.dma_semaphore, #tpu.memory_space<semaphore_mem>>
        %dma_start3A_92 = tpu.memref_squeeze %dma_start3A_91 : memref<1x!tpu.dma_semaphore, #tpu.memory_space<semaphore_mem>> -> memref<!tpu.dma_semaphore, #tpu.memory_space<semaphore_mem>>
        %dma_start3A_93 = arith.constant 0 : i32
        %dma_start3A_94 = tpu.memref_slice %arg3[%dma_start3A_93, %mul3A_89] : memref<8x32768xf32, #tpu.memory_space<any>> -> memref<8x1024xf32, #tpu.memory_space<any>>
        %dma_start3A_95 = arith.constant 0 : i32
        %dma_start3A_96 = arith.constant 0 : i32
        %dma_start3A_97 = tpu.memref_slice %arg5[%dma_start3A, %dma_start3A_95, %dma_start3A_96] : memref<2x8x1024xf32, #tpu.memory_space<vmem>> -> memref<1x8x1024xf32, #tpu.memory_space<vmem>>
        %dma_start3A_98 = tpu.memref_squeeze %dma_start3A_97 : memref<1x8x1024xf32, #tpu.memory_space<vmem>> -> memref<8x1024xf32, #tpu.memory_space<vmem>>
        tpu.enqueue_dma source(%dma_start3A_98 : memref<8x1024xf32, #tpu.memory_space<vmem>>) target(%dma_start3A_94 : memref<8x1024xf32, #tpu.memory_space<any>>) target_semaphore(%dma_start3A_92 : memref<!tpu.dma_semaphore, #tpu.memory_space<semaphore_mem>>)
      } else {
      }
      %eq3A_70 = arith.constant 1 : i32
      %eq3A_71 = arith.cmpi eq, %rem3A_7, %eq3A_70 : i32
      %convert_element_type3A_72 = arith.extui %eq3A_71 : i1 to i32
      %cond3A_73 = arith.constant 0 : i32
      %cond3A_74 = arith.cmpi ne, %convert_element_type3A_72, %cond3A_73 : i32
      scf.if %cond3A_74 {
        %get3A = arith.constant 0 : index
        %get3A_75 = arith.constant 0 : index
        %get3A_76 = vector.load %arg2[%get3A, %get3A_75] : memref<2048x8xf32, #tpu.memory_space<vmem>>, vector<2048x8xf32>
        %get3A_77 = arith.constant 1 : index
        %get3A_78 = arith.constant 0 : index
        %get3A_79 = arith.constant 0 : index
        %get3A_80 = vector.load %arg4[%get3A_77, %get3A_78, %get3A_79] : memref<4x1024x2048xf32, #tpu.memory_space<vmem>>, vector<1x1024x2048xf32>
        %get3A_81 = vector.shape_cast %get3A_80 : vector<1x1024x2048xf32> to vector<1024x2048xf32>
        %dot_general3A = arith.constant dense<0.000000e+00> : vector<8x1024xf32>
        %dot_general3A_82 = tpu.matmul %get3A_76, %get3A_81, %dot_general3A {dimension_numbers = #tpu.dot_dimension_numbers<[0], [1], [1], [0], [0, 1, 1, 0], [], []>, transpose_lhs_hint = false} : vector<2048x8xf32>, vector<1024x2048xf32>, vector<8x1024xf32> -> vector<8x1024xf32>
        %swap3A = arith.constant 1 : index
        %swap3A_83 = arith.constant 0 : index
        %swap3A_84 = arith.constant 0 : index
        %swap3A_85 = vector.load %arg5[%swap3A, %swap3A_83, %swap3A_84] : memref<2x8x1024xf32, #tpu.memory_space<vmem>>, vector<1x8x1024xf32>
        %swap3A_86 = vector.shape_cast %swap3A_85 : vector<1x8x1024xf32> to vector<8x1024xf32>
        %swap3A_87 = vector.shape_cast %dot_general3A_82 : vector<8x1024xf32> to vector<1x8x1024xf32>
        tpu.vector_store %arg5[%swap3A, %swap3A_83, %swap3A_84], %swap3A_87 {strides = array<i32>} : memref<2x8x1024xf32, #tpu.memory_space<vmem>>, vector<1x8x1024xf32>,
        %mul3A_88 = arith.constant 1024 : i32
        %mul3A_89 = arith.muli %arg0, %mul3A_88 : i32
        %dma_start3A = arith.constant 1 : i32
        %dma_start3A_90 = arith.constant 1 : i32
        %dma_start3A_91 = tpu.memref_slice %arg7[%dma_start3A_90] : memref<2x!tpu.dma_semaphore, #tpu.memory_space<semaphore_mem>> -> memref<1x!tpu.dma_semaphore, #tpu.memory_space<semaphore_mem>>
        %dma_start3A_92 = tpu.memref_squeeze %dma_start3A_91 : memref<1x!tpu.dma_semaphore, #tpu.memory_space<semaphore_mem>> -> memref<!tpu.dma_semaphore, #tpu.memory_space<semaphore_mem>>
        %dma_start3A_93 = arith.constant 0 : i32
        %dma_start3A_94 = tpu.memref_slice %arg3[%dma_start3A_93, %mul3A_89] : memref<8x32768xf32, #tpu.memory_space<any>> -> memref<8x1024xf32, #tpu.memory_space<any>>
        %dma_start3A_95 = arith.constant 0 : i32
        %dma_start3A_96 = arith.constant 0 : i32
        %dma_start3A_97 = tpu.memref_slice %arg5[%dma_start3A, %dma_start3A_95, %dma_start3A_96] : memref<2x8x1024xf32, #tpu.memory_space<vmem>> -> memref<1x8x1024xf32, #tpu.memory_space<vmem>>
        %dma_start3A_98 = tpu.memref_squeeze %dma_start3A_97 : memref<1x8x1024xf32, #tpu.memory_space<vmem>> -> memref<8x1024xf32, #tpu.memory_space<vmem>>
        tpu.enqueue_dma source(%dma_start3A_98 : memref<8x1024xf32, #tpu.memory_space<vmem>>) target(%dma_start3A_94 : memref<8x1024xf32, #tpu.memory_space<any>>) target_semaphore(%dma_start3A_92 : memref<!tpu.dma_semaphore, #tpu.memory_space<semaphore_mem>>)
      } else {
      }
    } else {
    }
    %rem3A_36 = arith.constant 4 : i32
    %rem3A_37 = arith.remsi %arg0, %rem3A_36 : i32
    %eq3A_38 = arith.constant 2 : i32
    %eq3A_39 = arith.cmpi eq, %rem3A_37, %eq3A_38 : i32
    %convert_element_type3A_40 = arith.extui %eq3A_39 : i1 to i32
    %cond3A_41 = arith.constant 0 : i32
    %cond3A_42 = arith.cmpi ne, %convert_element_type3A_40, %cond3A_41 : i32
    scf.if %cond3A_42 {
      %mul3A = arith.constant 1024 : i32
      %mul3A_55 = arith.muli %arg0, %mul3A : i32
      %dma_wait3A = arith.constant 2 : i32
      %dma_wait3A_56 = arith.constant 2 : i32
      %dma_wait3A_57 = tpu.memref_slice %arg6[%dma_wait3A_56] : memref<4x!tpu.dma_semaphore, #tpu.memory_space<semaphore_mem>> -> memref<1x!tpu.dma_semaphore, #tpu.memory_space<semaphore_mem>>
      %dma_wait3A_58 = tpu.memref_squeeze %dma_wait3A_57 : memref<1x!tpu.dma_semaphore, #tpu.memory_space<semaphore_mem>> -> memref<!tpu.dma_semaphore, #tpu.memory_space<semaphore_mem>>
      %dma_wait3A_59 = arith.constant 0 : i32
      %dma_wait3A_60 = arith.constant 0 : i32
      %dma_wait3A_61 = tpu.memref_slice %arg4[%dma_wait3A, %dma_wait3A_59, %dma_wait3A_60] : memref<4x1024x2048xf32, #tpu.memory_space<vmem>> -> memref<1x1024x2048xf32, #tpu.memory_space<vmem>>
      %dma_wait3A_62 = tpu.memref_squeeze %dma_wait3A_61 : memref<1x1024x2048xf32, #tpu.memory_space<vmem>> -> memref<1024x2048xf32, #tpu.memory_space<vmem>>
      %dma_wait3A_63 = arith.constant 0 : i32
      %dma_wait3A_64 = tpu.memref_slice %arg1[%mul3A_55, %dma_wait3A_63] : memref<32768x2048xf32, #tpu.memory_space<any>> -> memref<1024x2048xf32, #tpu.memory_space<any>>
      tpu.wait_dma2 semaphore(%dma_wait3A_58 : memref<!tpu.dma_semaphore, #tpu.memory_space<semaphore_mem>>) src(%dma_wait3A_64 : memref<1024x2048xf32, #tpu.memory_space<any>>) dst(%dma_wait3A_62 : memref<1024x2048xf32, #tpu.memory_space<vmem>>)
      %eq3A_65 = arith.constant 0 : i32
      %eq3A_66 = arith.cmpi eq, %rem3A_7, %eq3A_65 : i32
      %convert_element_type3A_67 = arith.extui %eq3A_66 : i1 to i32
      %cond3A_68 = arith.constant 0 : i32
      %cond3A_69 = arith.cmpi ne, %convert_element_type3A_67, %cond3A_68 : i32
      scf.if %cond3A_69 {
        %get3A = arith.constant 0 : index
        %get3A_75 = arith.constant 0 : index
        %get3A_76 = vector.load %arg2[%get3A, %get3A_75] : memref<2048x8xf32, #tpu.memory_space<vmem>>, vector<2048x8xf32>
        %get3A_77 = arith.constant 2 : index
        %get3A_78 = arith.constant 0 : index
        %get3A_79 = arith.constant 0 : index
        %get3A_80 = vector.load %arg4[%get3A_77, %get3A_78, %get3A_79] : memref<4x1024x2048xf32, #tpu.memory_space<vmem>>, vector<1x1024x2048xf32>
        %get3A_81 = vector.shape_cast %get3A_80 : vector<1x1024x2048xf32> to vector<1024x2048xf32>
        %dot_general3A = arith.constant dense<0.000000e+00> : vector<8x1024xf32>
        %dot_general3A_82 = tpu.matmul %get3A_76, %get3A_81, %dot_general3A {dimension_numbers = #tpu.dot_dimension_numbers<[0], [1], [1], [0], [0, 1, 1, 0], [], []>, transpose_lhs_hint = false} : vector<2048x8xf32>, vector<1024x2048xf32>, vector<8x1024xf32> -> vector<8x1024xf32>
        %swap3A = arith.constant 0 : index
        %swap3A_83 = arith.constant 0 : index
        %swap3A_84 = arith.constant 0 : index
        %swap3A_85 = vector.load %arg5[%swap3A, %swap3A_83, %swap3A_84] : memref<2x8x1024xf32, #tpu.memory_space<vmem>>, vector<1x8x1024xf32>
        %swap3A_86 = vector.shape_cast %swap3A_85 : vector<1x8x1024xf32> to vector<8x1024xf32>
        %swap3A_87 = vector.shape_cast %dot_general3A_82 : vector<8x1024xf32> to vector<1x8x1024xf32>
        tpu.vector_store %arg5[%swap3A, %swap3A_83, %swap3A_84], %swap3A_87 {strides = array<i32>} : memref<2x8x1024xf32, #tpu.memory_space<vmem>>, vector<1x8x1024xf32>,
        %mul3A_88 = arith.constant 1024 : i32
        %mul3A_89 = arith.muli %arg0, %mul3A_88 : i32
        %dma_start3A = arith.constant 0 : i32
        %dma_start3A_90 = arith.constant 0 : i32
        %dma_start3A_91 = tpu.memref_slice %arg7[%dma_start3A_90] : memref<2x!tpu.dma_semaphore, #tpu.memory_space<semaphore_mem>> -> memref<1x!tpu.dma_semaphore, #tpu.memory_space<semaphore_mem>>
        %dma_start3A_92 = tpu.memref_squeeze %dma_start3A_91 : memref<1x!tpu.dma_semaphore, #tpu.memory_space<semaphore_mem>> -> memref<!tpu.dma_semaphore, #tpu.memory_space<semaphore_mem>>
        %dma_start3A_93 = arith.constant 0 : i32
        %dma_start3A_94 = tpu.memref_slice %arg3[%dma_start3A_93, %mul3A_89] : memref<8x32768xf32, #tpu.memory_space<any>> -> memref<8x1024xf32, #tpu.memory_space<any>>
        %dma_start3A_95 = arith.constant 0 : i32
        %dma_start3A_96 = arith.constant 0 : i32
        %dma_start3A_97 = tpu.memref_slice %arg5[%dma_start3A, %dma_start3A_95, %dma_start3A_96] : memref<2x8x1024xf32, #tpu.memory_space<vmem>> -> memref<1x8x1024xf32, #tpu.memory_space<vmem>>
        %dma_start3A_98 = tpu.memref_squeeze %dma_start3A_97 : memref<1x8x1024xf32, #tpu.memory_space<vmem>> -> memref<8x1024xf32, #tpu.memory_space<vmem>>
        tpu.enqueue_dma source(%dma_start3A_98 : memref<8x1024xf32, #tpu.memory_space<vmem>>) target(%dma_start3A_94 : memref<8x1024xf32, #tpu.memory_space<any>>) target_semaphore(%dma_start3A_92 : memref<!tpu.dma_semaphore, #tpu.memory_space<semaphore_mem>>)
      } else {
      }
      %eq3A_70 = arith.constant 1 : i32
      %eq3A_71 = arith.cmpi eq, %rem3A_7, %eq3A_70 : i32
      %convert_element_type3A_72 = arith.extui %eq3A_71 : i1 to i32
      %cond3A_73 = arith.constant 0 : i32
      %cond3A_74 = arith.cmpi ne, %convert_element_type3A_72, %cond3A_73 : i32
      scf.if %cond3A_74 {
        %get3A = arith.constant 0 : index
        %get3A_75 = arith.constant 0 : index
        %get3A_76 = vector.load %arg2[%get3A, %get3A_75] : memref<2048x8xf32, #tpu.memory_space<vmem>>, vector<2048x8xf32>
        %get3A_77 = arith.constant 2 : index
        %get3A_78 = arith.constant 0 : index
        %get3A_79 = arith.constant 0 : index
        %get3A_80 = vector.load %arg4[%get3A_77, %get3A_78, %get3A_79] : memref<4x1024x2048xf32, #tpu.memory_space<vmem>>, vector<1x1024x2048xf32>
        %get3A_81 = vector.shape_cast %get3A_80 : vector<1x1024x2048xf32> to vector<1024x2048xf32>
        %dot_general3A = arith.constant dense<0.000000e+00> : vector<8x1024xf32>
        %dot_general3A_82 = tpu.matmul %get3A_76, %get3A_81, %dot_general3A {dimension_numbers = #tpu.dot_dimension_numbers<[0], [1], [1], [0], [0, 1, 1, 0], [], []>, transpose_lhs_hint = false} : vector<2048x8xf32>, vector<1024x2048xf32>, vector<8x1024xf32> -> vector<8x1024xf32>
        %swap3A = arith.constant 1 : index
        %swap3A_83 = arith.constant 0 : index
        %swap3A_84 = arith.constant 0 : index
        %swap3A_85 = vector.load %arg5[%swap3A, %swap3A_83, %swap3A_84] : memref<2x8x1024xf32, #tpu.memory_space<vmem>>, vector<1x8x1024xf32>
        %swap3A_86 = vector.shape_cast %swap3A_85 : vector<1x8x1024xf32> to vector<8x1024xf32>
        %swap3A_87 = vector.shape_cast %dot_general3A_82 : vector<8x1024xf32> to vector<1x8x1024xf32>
        tpu.vector_store %arg5[%swap3A, %swap3A_83, %swap3A_84], %swap3A_87 {strides = array<i32>} : memref<2x8x1024xf32, #tpu.memory_space<vmem>>, vector<1x8x1024xf32>,
        %mul3A_88 = arith.constant 1024 : i32
        %mul3A_89 = arith.muli %arg0, %mul3A_88 : i32
        %dma_start3A = arith.constant 1 : i32
        %dma_start3A_90 = arith.constant 1 : i32
        %dma_start3A_91 = tpu.memref_slice %arg7[%dma_start3A_90] : memref<2x!tpu.dma_semaphore, #tpu.memory_space<semaphore_mem>> -> memref<1x!tpu.dma_semaphore, #tpu.memory_space<semaphore_mem>>
        %dma_start3A_92 = tpu.memref_squeeze %dma_start3A_91 : memref<1x!tpu.dma_semaphore, #tpu.memory_space<semaphore_mem>> -> memref<!tpu.dma_semaphore, #tpu.memory_space<semaphore_mem>>
        %dma_start3A_93 = arith.constant 0 : i32
        %dma_start3A_94 = tpu.memref_slice %arg3[%dma_start3A_93, %mul3A_89] : memref<8x32768xf32, #tpu.memory_space<any>> -> memref<8x1024xf32, #tpu.memory_space<any>>
        %dma_start3A_95 = arith.constant 0 : i32
        %dma_start3A_96 = arith.constant 0 : i32
        %dma_start3A_97 = tpu.memref_slice %arg5[%dma_start3A, %dma_start3A_95, %dma_start3A_96] : memref<2x8x1024xf32, #tpu.memory_space<vmem>> -> memref<1x8x1024xf32, #tpu.memory_space<vmem>>
        %dma_start3A_98 = tpu.memref_squeeze %dma_start3A_97 : memref<1x8x1024xf32, #tpu.memory_space<vmem>> -> memref<8x1024xf32, #tpu.memory_space<vmem>>
        tpu.enqueue_dma source(%dma_start3A_98 : memref<8x1024xf32, #tpu.memory_space<vmem>>) target(%dma_start3A_94 : memref<8x1024xf32, #tpu.memory_space<any>>) target_semaphore(%dma_start3A_92 : memref<!tpu.dma_semaphore, #tpu.memory_space<semaphore_mem>>)
      } else {
      }
    } else {
    }
    %rem3A_43 = arith.constant 4 : i32
    %rem3A_44 = arith.remsi %arg0, %rem3A_43 : i32
    %eq3A_45 = arith.constant 3 : i32
    %eq3A_46 = arith.cmpi eq, %rem3A_44, %eq3A_45 : i32
    %convert_element_type3A_47 = arith.extui %eq3A_46 : i1 to i32
    %cond3A_48 = arith.constant 0 : i32
    %cond3A_49 = arith.cmpi ne, %convert_element_type3A_47, %cond3A_48 : i32
    scf.if %cond3A_49 {
      %mul3A = arith.constant 1024 : i32
      %mul3A_55 = arith.muli %arg0, %mul3A : i32
      %dma_wait3A = arith.constant 3 : i32
      %dma_wait3A_56 = arith.constant 3 : i32
      %dma_wait3A_57 = tpu.memref_slice %arg6[%dma_wait3A_56] : memref<4x!tpu.dma_semaphore, #tpu.memory_space<semaphore_mem>> -> memref<1x!tpu.dma_semaphore, #tpu.memory_space<semaphore_mem>>
      %dma_wait3A_58 = tpu.memref_squeeze %dma_wait3A_57 : memref<1x!tpu.dma_semaphore, #tpu.memory_space<semaphore_mem>> -> memref<!tpu.dma_semaphore, #tpu.memory_space<semaphore_mem>>
      %dma_wait3A_59 = arith.constant 0 : i32
      %dma_wait3A_60 = arith.constant 0 : i32
      %dma_wait3A_61 = tpu.memref_slice %arg4[%dma_wait3A, %dma_wait3A_59, %dma_wait3A_60] : memref<4x1024x2048xf32, #tpu.memory_space<vmem>> -> memref<1x1024x2048xf32, #tpu.memory_space<vmem>>
      %dma_wait3A_62 = tpu.memref_squeeze %dma_wait3A_61 : memref<1x1024x2048xf32, #tpu.memory_space<vmem>> -> memref<1024x2048xf32, #tpu.memory_space<vmem>>
      %dma_wait3A_63 = arith.constant 0 : i32
      %dma_wait3A_64 = tpu.memref_slice %arg1[%mul3A_55, %dma_wait3A_63] : memref<32768x2048xf32, #tpu.memory_space<any>> -> memref<1024x2048xf32, #tpu.memory_space<any>>
      tpu.wait_dma2 semaphore(%dma_wait3A_58 : memref<!tpu.dma_semaphore, #tpu.memory_space<semaphore_mem>>) src(%dma_wait3A_64 : memref<1024x2048xf32, #tpu.memory_space<any>>) dst(%dma_wait3A_62 : memref<1024x2048xf32, #tpu.memory_space<vmem>>)
      %eq3A_65 = arith.constant 0 : i32
      %eq3A_66 = arith.cmpi eq, %rem3A_7, %eq3A_65 : i32
      %convert_element_type3A_67 = arith.extui %eq3A_66 : i1 to i32
      %cond3A_68 = arith.constant 0 : i32
      %cond3A_69 = arith.cmpi ne, %convert_element_type3A_67, %cond3A_68 : i32
      scf.if %cond3A_69 {
        %get3A = arith.constant 0 : index
        %get3A_75 = arith.constant 0 : index
        %get3A_76 = vector.load %arg2[%get3A, %get3A_75] : memref<2048x8xf32, #tpu.memory_space<vmem>>, vector<2048x8xf32>
        %get3A_77 = arith.constant 3 : index
        %get3A_78 = arith.constant 0 : index
        %get3A_79 = arith.constant 0 : index
        %get3A_80 = vector.load %arg4[%get3A_77, %get3A_78, %get3A_79] : memref<4x1024x2048xf32, #tpu.memory_space<vmem>>, vector<1x1024x2048xf32>
        %get3A_81 = vector.shape_cast %get3A_80 : vector<1x1024x2048xf32> to vector<1024x2048xf32>
        %dot_general3A = arith.constant dense<0.000000e+00> : vector<8x1024xf32>
        %dot_general3A_82 = tpu.matmul %get3A_76, %get3A_81, %dot_general3A {dimension_numbers = #tpu.dot_dimension_numbers<[0], [1], [1], [0], [0, 1, 1, 0], [], []>, transpose_lhs_hint = false} : vector<2048x8xf32>, vector<1024x2048xf32>, vector<8x1024xf32> -> vector<8x1024xf32>
        %swap3A = arith.constant 0 : index
        %swap3A_83 = arith.constant 0 : index
        %swap3A_84 = arith.constant 0 : index
        %swap3A_85 = vector.load %arg5[%swap3A, %swap3A_83, %swap3A_84] : memref<2x8x1024xf32, #tpu.memory_space<vmem>>, vector<1x8x1024xf32>
        %swap3A_86 = vector.shape_cast %swap3A_85 : vector<1x8x1024xf32> to vector<8x1024xf32>
        %swap3A_87 = vector.shape_cast %dot_general3A_82 : vector<8x1024xf32> to vector<1x8x1024xf32>
        tpu.vector_store %arg5[%swap3A, %swap3A_83, %swap3A_84], %swap3A_87 {strides = array<i32>} : memref<2x8x1024xf32, #tpu.memory_space<vmem>>, vector<1x8x1024xf32>,
        %mul3A_88 = arith.constant 1024 : i32
        %mul3A_89 = arith.muli %arg0, %mul3A_88 : i32
        %dma_start3A = arith.constant 0 : i32
        %dma_start3A_90 = arith.constant 0 : i32
        %dma_start3A_91 = tpu.memref_slice %arg7[%dma_start3A_90] : memref<2x!tpu.dma_semaphore, #tpu.memory_space<semaphore_mem>> -> memref<1x!tpu.dma_semaphore, #tpu.memory_space<semaphore_mem>>
        %dma_start3A_92 = tpu.memref_squeeze %dma_start3A_91 : memref<1x!tpu.dma_semaphore, #tpu.memory_space<semaphore_mem>> -> memref<!tpu.dma_semaphore, #tpu.memory_space<semaphore_mem>>
        %dma_start3A_93 = arith.constant 0 : i32
        %dma_start3A_94 = tpu.memref_slice %arg3[%dma_start3A_93, %mul3A_89] : memref<8x32768xf32, #tpu.memory_space<any>> -> memref<8x1024xf32, #tpu.memory_space<any>>
        %dma_start3A_95 = arith.constant 0 : i32
        %dma_start3A_96 = arith.constant 0 : i32
        %dma_start3A_97 = tpu.memref_slice %arg5[%dma_start3A, %dma_start3A_95, %dma_start3A_96] : memref<2x8x1024xf32, #tpu.memory_space<vmem>> -> memref<1x8x1024xf32, #tpu.memory_space<vmem>>
        %dma_start3A_98 = tpu.memref_squeeze %dma_start3A_97 : memref<1x8x1024xf32, #tpu.memory_space<vmem>> -> memref<8x1024xf32, #tpu.memory_space<vmem>>
        tpu.enqueue_dma source(%dma_start3A_98 : memref<8x1024xf32, #tpu.memory_space<vmem>>) target(%dma_start3A_94 : memref<8x1024xf32, #tpu.memory_space<any>>) target_semaphore(%dma_start3A_92 : memref<!tpu.dma_semaphore, #tpu.memory_space<semaphore_mem>>)
      } else {
      }
      %eq3A_70 = arith.constant 1 : i32
      %eq3A_71 = arith.cmpi eq, %rem3A_7, %eq3A_70 : i32
      %convert_element_type3A_72 = arith.extui %eq3A_71 : i1 to i32
      %cond3A_73 = arith.constant 0 : i32
      %cond3A_74 = arith.cmpi ne, %convert_element_type3A_72, %cond3A_73 : i32
      scf.if %cond3A_74 {
        %get3A = arith.constant 0 : index
        %get3A_75 = arith.constant 0 : index
        %get3A_76 = vector.load %arg2[%get3A, %get3A_75] : memref<2048x8xf32, #tpu.memory_space<vmem>>, vector<2048x8xf32>
        %get3A_77 = arith.constant 3 : index
        %get3A_78 = arith.constant 0 : index
        %get3A_79 = arith.constant 0 : index
        %get3A_80 = vector.load %arg4[%get3A_77, %get3A_78, %get3A_79] : memref<4x1024x2048xf32, #tpu.memory_space<vmem>>, vector<1x1024x2048xf32>
        %get3A_81 = vector.shape_cast %get3A_80 : vector<1x1024x2048xf32> to vector<1024x2048xf32>
        %dot_general3A = arith.constant dense<0.000000e+00> : vector<8x1024xf32>
        %dot_general3A_82 = tpu.matmul %get3A_76, %get3A_81, %dot_general3A {dimension_numbers = #tpu.dot_dimension_numbers<[0], [1], [1], [0], [0, 1, 1, 0], [], []>, transpose_lhs_hint = false} : vector<2048x8xf32>, vector<1024x2048xf32>, vector<8x1024xf32> -> vector<8x1024xf32>
        %swap3A = arith.constant 1 : index
        %swap3A_83 = arith.constant 0 : index
        %swap3A_84 = arith.constant 0 : index
        %swap3A_85 = vector.load %arg5[%swap3A, %swap3A_83, %swap3A_84] : memref<2x8x1024xf32, #tpu.memory_space<vmem>>, vector<1x8x1024xf32>
        %swap3A_86 = vector.shape_cast %swap3A_85 : vector<1x8x1024xf32> to vector<8x1024xf32>
        %swap3A_87 = vector.shape_cast %dot_general3A_82 : vector<8x1024xf32> to vector<1x8x1024xf32>
        tpu.vector_store %arg5[%swap3A, %swap3A_83, %swap3A_84], %swap3A_87 {strides = array<i32>} : memref<2x8x1024xf32, #tpu.memory_space<vmem>>, vector<1x8x1024xf32>,
        %mul3A_88 = arith.constant 1024 : i32
        %mul3A_89 = arith.muli %arg0, %mul3A_88 : i32
        %dma_start3A = arith.constant 1 : i32
        %dma_start3A_90 = arith.constant 1 : i32
        %dma_start3A_91 = tpu.memref_slice %arg7[%dma_start3A_90] : memref<2x!tpu.dma_semaphore, #tpu.memory_space<semaphore_mem>> -> memref<1x!tpu.dma_semaphore, #tpu.memory_space<semaphore_mem>>
        %dma_start3A_92 = tpu.memref_squeeze %dma_start3A_91 : memref<1x!tpu.dma_semaphore, #tpu.memory_space<semaphore_mem>> -> memref<!tpu.dma_semaphore, #tpu.memory_space<semaphore_mem>>
        %dma_start3A_93 = arith.constant 0 : i32
        %dma_start3A_94 = tpu.memref_slice %arg3[%dma_start3A_93, %mul3A_89] : memref<8x32768xf32, #tpu.memory_space<any>> -> memref<8x1024xf32, #tpu.memory_space<any>>
        %dma_start3A_95 = arith.constant 0 : i32
        %dma_start3A_96 = arith.constant 0 : i32
        %dma_start3A_97 = tpu.memref_slice %arg5[%dma_start3A, %dma_start3A_95, %dma_start3A_96] : memref<2x8x1024xf32, #tpu.memory_space<vmem>> -> memref<1x8x1024xf32, #tpu.memory_space<vmem>>
        %dma_start3A_98 = tpu.memref_squeeze %dma_start3A_97 : memref<1x8x1024xf32, #tpu.memory_space<vmem>> -> memref<8x1024xf32, #tpu.memory_space<vmem>>
        tpu.enqueue_dma source(%dma_start3A_98 : memref<8x1024xf32, #tpu.memory_space<vmem>>) target(%dma_start3A_94 : memref<8x1024xf32, #tpu.memory_space<any>>) target_semaphore(%dma_start3A_92 : memref<!tpu.dma_semaphore, #tpu.memory_space<semaphore_mem>>)
      } else {
      }
    } else {
    }
    %eq3A_50 = arith.constant 31 : i32
    %eq3A_51 = arith.cmpi eq, %arg0, %eq3A_50 : i32
    %convert_element_type3A_52 = arith.extui %eq3A_51 : i1 to i32
    %cond3A_53 = arith.constant 0 : i32
    %cond3A_54 = arith.cmpi ne, %convert_element_type3A_52, %cond3A_53 : i32
    scf.if %cond3A_54 {
      %eq3A_55 = arith.constant 0 : i32
      %eq3A_56 = arith.cmpi eq, %rem3A_7, %eq3A_55 : i32
      %convert_element_type3A_57 = arith.extui %eq3A_56 : i1 to i32
      %cond3A_58 = arith.constant 0 : i32
      %cond3A_59 = arith.cmpi ne, %convert_element_type3A_57, %cond3A_58 : i32
      scf.if %cond3A_59 {
        %sub3A = arith.constant 1 : i32
        %sub3A_65 = arith.subi %arg0, %sub3A : i32
        %mul3A = arith.constant 1024 : i32
        %mul3A_66 = arith.muli %sub3A_65, %mul3A : i32
        %dma_wait3A = arith.constant 1 : i32
        %dma_wait3A_67 = arith.constant 1 : i32
        %dma_wait3A_68 = tpu.memref_slice %arg7[%dma_wait3A_67] : memref<2x!tpu.dma_semaphore, #tpu.memory_space<semaphore_mem>> -> memref<1x!tpu.dma_semaphore, #tpu.memory_space<semaphore_mem>>
        %dma_wait3A_69 = tpu.memref_squeeze %dma_wait3A_68 : memref<1x!tpu.dma_semaphore, #tpu.memory_space<semaphore_mem>> -> memref<!tpu.dma_semaphore, #tpu.memory_space<semaphore_mem>>
        %dma_wait3A_70 = arith.constant 0 : i32
        %dma_wait3A_71 = tpu.memref_slice %arg3[%dma_wait3A_70, %mul3A_66] : memref<8x32768xf32, #tpu.memory_space<any>> -> memref<8x1024xf32, #tpu.memory_space<any>>
        %dma_wait3A_72 = arith.constant 0 : i32
        %dma_wait3A_73 = arith.constant 0 : i32
        %dma_wait3A_74 = tpu.memref_slice %arg5[%dma_wait3A, %dma_wait3A_72, %dma_wait3A_73] : memref<2x8x1024xf32, #tpu.memory_space<vmem>> -> memref<1x8x1024xf32, #tpu.memory_space<vmem>>
        %dma_wait3A_75 = tpu.memref_squeeze %dma_wait3A_74 : memref<1x8x1024xf32, #tpu.memory_space<vmem>> -> memref<8x1024xf32, #tpu.memory_space<vmem>>
        tpu.wait_dma2 semaphore(%dma_wait3A_69 : memref<!tpu.dma_semaphore, #tpu.memory_space<semaphore_mem>>) src(%dma_wait3A_75 : memref<8x1024xf32, #tpu.memory_space<vmem>>) dst(%dma_wait3A_71 : memref<8x1024xf32, #tpu.memory_space<any>>)
        %mul3A_76 = arith.constant 1024 : i32
        %mul3A_77 = arith.muli %arg0, %mul3A_76 : i32
        %dma_wait3A_78 = arith.constant 0 : i32
        %dma_wait3A_79 = arith.constant 0 : i32
        %dma_wait3A_80 = tpu.memref_slice %arg7[%dma_wait3A_79] : memref<2x!tpu.dma_semaphore, #tpu.memory_space<semaphore_mem>> -> memref<1x!tpu.dma_semaphore, #tpu.memory_space<semaphore_mem>>
        %dma_wait3A_81 = tpu.memref_squeeze %dma_wait3A_80 : memref<1x!tpu.dma_semaphore, #tpu.memory_space<semaphore_mem>> -> memref<!tpu.dma_semaphore, #tpu.memory_space<semaphore_mem>>
        %dma_wait3A_82 = arith.constant 0 : i32
        %dma_wait3A_83 = tpu.memref_slice %arg3[%dma_wait3A_82, %mul3A_77] : memref<8x32768xf32, #tpu.memory_space<any>> -> memref<8x1024xf32, #tpu.memory_space<any>>
        %dma_wait3A_84 = arith.constant 0 : i32
        %dma_wait3A_85 = arith.constant 0 : i32
        %dma_wait3A_86 = tpu.memref_slice %arg5[%dma_wait3A_78, %dma_wait3A_84, %dma_wait3A_85] : memref<2x8x1024xf32, #tpu.memory_space<vmem>> -> memref<1x8x1024xf32, #tpu.memory_space<vmem>>
        %dma_wait3A_87 = tpu.memref_squeeze %dma_wait3A_86 : memref<1x8x1024xf32, #tpu.memory_space<vmem>> -> memref<8x1024xf32, #tpu.memory_space<vmem>>
        tpu.wait_dma2 semaphore(%dma_wait3A_81 : memref<!tpu.dma_semaphore, #tpu.memory_space<semaphore_mem>>) src(%dma_wait3A_87 : memref<8x1024xf32, #tpu.memory_space<vmem>>) dst(%dma_wait3A_83 : memref<8x1024xf32, #tpu.memory_space<any>>)
      } else {
      }
      %eq3A_60 = arith.constant 1 : i32
      %eq3A_61 = arith.cmpi eq, %rem3A_7, %eq3A_60 : i32
      %convert_element_type3A_62 = arith.extui %eq3A_61 : i1 to i32
      %cond3A_63 = arith.constant 0 : i32
      %cond3A_64 = arith.cmpi ne, %convert_element_type3A_62, %cond3A_63 : i32
      scf.if %cond3A_64 {
        %sub3A = arith.constant 1 : i32
        %sub3A_65 = arith.subi %arg0, %sub3A : i32
        %mul3A = arith.constant 1024 : i32
        %mul3A_66 = arith.muli %sub3A_65, %mul3A : i32
        %dma_wait3A = arith.constant 0 : i32
        %dma_wait3A_67 = arith.constant 0 : i32
        %dma_wait3A_68 = tpu.memref_slice %arg7[%dma_wait3A_67] : memref<2x!tpu.dma_semaphore, #tpu.memory_space<semaphore_mem>> -> memref<1x!tpu.dma_semaphore, #tpu.memory_space<semaphore_mem>>
        %dma_wait3A_69 = tpu.memref_squeeze %dma_wait3A_68 : memref<1x!tpu.dma_semaphore, #tpu.memory_space<semaphore_mem>> -> memref<!tpu.dma_semaphore, #tpu.memory_space<semaphore_mem>>
        %dma_wait3A_70 = arith.constant 0 : i32
        %dma_wait3A_71 = tpu.memref_slice %arg3[%dma_wait3A_70, %mul3A_66] : memref<8x32768xf32, #tpu.memory_space<any>> -> memref<8x1024xf32, #tpu.memory_space<any>>
        %dma_wait3A_72 = arith.constant 0 : i32
        %dma_wait3A_73 = arith.constant 0 : i32
        %dma_wait3A_74 = tpu.memref_slice %arg5[%dma_wait3A, %dma_wait3A_72, %dma_wait3A_73] : memref<2x8x1024xf32, #tpu.memory_space<vmem>> -> memref<1x8x1024xf32, #tpu.memory_space<vmem>>
        %dma_wait3A_75 = tpu.memref_squeeze %dma_wait3A_74 : memref<1x8x1024xf32, #tpu.memory_space<vmem>> -> memref<8x1024xf32, #tpu.memory_space<vmem>>
        tpu.wait_dma2 semaphore(%dma_wait3A_69 : memref<!tpu.dma_semaphore, #tpu.memory_space<semaphore_mem>>) src(%dma_wait3A_75 : memref<8x1024xf32, #tpu.memory_space<vmem>>) dst(%dma_wait3A_71 : memref<8x1024xf32, #tpu.memory_space<any>>)
        %mul3A_76 = arith.constant 1024 : i32
        %mul3A_77 = arith.muli %arg0, %mul3A_76 : i32
        %dma_wait3A_78 = arith.constant 1 : i32
        %dma_wait3A_79 = arith.constant 1 : i32
        %dma_wait3A_80 = tpu.memref_slice %arg7[%dma_wait3A_79] : memref<2x!tpu.dma_semaphore, #tpu.memory_space<semaphore_mem>> -> memref<1x!tpu.dma_semaphore, #tpu.memory_space<semaphore_mem>>
        %dma_wait3A_81 = tpu.memref_squeeze %dma_wait3A_80 : memref<1x!tpu.dma_semaphore, #tpu.memory_space<semaphore_mem>> -> memref<!tpu.dma_semaphore, #tpu.memory_space<semaphore_mem>>
        %dma_wait3A_82 = arith.constant 0 : i32
        %dma_wait3A_83 = tpu.memref_slice %arg3[%dma_wait3A_82, %mul3A_77] : memref<8x32768xf32, #tpu.memory_space<any>> -> memref<8x1024xf32, #tpu.memory_space<any>>
        %dma_wait3A_84 = arith.constant 0 : i32
        %dma_wait3A_85 = arith.constant 0 : i32
        %dma_wait3A_86 = tpu.memref_slice %arg5[%dma_wait3A_78, %dma_wait3A_84, %dma_wait3A_85] : memref<2x8x1024xf32, #tpu.memory_space<vmem>> -> memref<1x8x1024xf32, #tpu.memory_space<vmem>>
        %dma_wait3A_87 = tpu.memref_squeeze %dma_wait3A_86 : memref<1x8x1024xf32, #tpu.memory_space<vmem>> -> memref<8x1024xf32, #tpu.memory_space<vmem>>
        tpu.wait_dma2 semaphore(%dma_wait3A_81 : memref<!tpu.dma_semaphore, #tpu.memory_space<semaphore_mem>>) src(%dma_wait3A_87 : memref<8x1024xf32, #tpu.memory_space<vmem>>) dst(%dma_wait3A_83 : memref<8x1024xf32, #tpu.memory_space<any>>)
      } else {
      }
    } else {
    }
    return
  }
  func.func @transform_1(%arg0: i32) -> (i32, i32) {
    %c0_i32 = arith.constant 0 : i32
    %c0_i32_0 = arith.constant 0 : i32
    %c0_i32_1 = arith.constant 0 : i32
    return %c0_i32, %c0_i32_0 : i32, i32
  }
}

</mosaic_0001>

<sc_bundles>
// kernel: kernel.4.cloned.1.call-start
scs
__scs_entry_jumppad:
0x0: {  	(pc) =	sbr.rel $0x88, $3  }
0x1: {  	(tag) =	ssettag $0x0;
	lr =	simm.s32 $0x1  }
0x2: {  	[smem:$0x3F9E] =	sst lr;
	_ =	strace $0xD0000000  }
0x3: {  	_ = 	snop  }
0x4: {  	_ = 	snop  }
0x5: {  	_ = 	snop  }
0x6: {  	_ = 	snop  }
0x7: {  	_ = 	snop  }
__scs_overlays_trampoline_lowered:
0x8: {  	[smem:$0x3FAD] =	sst s0  }
0x9: {  	[smem:$0x3FAE] =	sst s1  }
0xa: {  	[smem:$0x3FAF] =	sst s2  }
0xb: {  	[smem:$0x3FB0] =	sst s3  }
0xc: {  	[smem:$0x3FB1] =	sst s4  }
0xd: {  	[smem:$0x3FB2] =	sst s5  }
0xe: {  	[smem:$0x3FB3] =	sst s6  }
0xf: {  	[smem:$0x3FB4] =	sst s7  }
0x10: {  	[smem:$0x3FB5] =	sst s8  }
0x11: {  	[smem:$0x3FB6] =	sst s9;
	s0 =	simm.s32 @!p0 $0x0  }
0x12: {  	s1 =	sld [smem:$0x3F9C];
	s0 =	simm.s32 @p0 $0x1  }
0x13: {  	[smem:$0x3FB7] =	sst s0;
	s0 =	simm.s32 @!p1 $0x0  }
0x14: {  	s2 =	sld [smem:$0x3F9B];
	s0 =	simm.s32 @p1 $0x1  }
0x15: {  	[smem:$0x3FB8] =	sst s0;
	s0 =	simm.s32 @!p2 $0x0  }
0x16: {  	s3 =	sld [smem:$0x3FDB];
	s0 =	simm.s32 @p2 $0x1  }
0x17: {  	s4 =	simm.s32 $0x1BF5;
	[smem:$0x3FBA] =	sst s0  }
0x18: {  	s0 =	sld [smem:$0x3F9D];
	_ =	swait.ge [sflag:s4], $0x0  }
0x19: {  	s7 =	sld [smem:$0x3F9E]  }
0x1a: {  	s8 =	sadd.s32 $0xFFFFE003, lr  }
0x1b: {  	s9 =	sadd.s32 $0xFFFFFEF7, lr;
	s5 =	simm.s32 $0xFFFFFFFF;
	p2 =	slt.u32 s8, $0xFFFFF086  }
0x1c: {  	p1 =	slt.u32 s9, $0xF7A;
	s5 =	simm.s32 @!p2 $0x0  }
0x1d: {  	s5 =	simm.s32 @p1 $0x1;
	p0 =	seq.s32 s7, s2  }
0x1e: {  	s7 =	smul.u32 @!p0 $0xF7A, s2;
	p2 =	seq.s32 @!p0 s5, $0x0  }
0x1f: {  	s9 =	smul.u32 $0xF7A, s1;
	s8 =	simm.s32 @!p0 $0x1BF5;
	p2 =	por !p2, p0  }
0x20: {  	[sflag:s8] =	ssyncset.s32 @!p0 $0xFFFFF086;
	s6 =	sadd.s32 @!p0 s3, s7;
	s7 =	simm.s32 @!p0 $0x108  }
0x21: {  	s3 =	sadd.s32 s3, s9;
	s6 =	sadd.s32 @!p0 $0x88, s6;
	s7 =	simm.s32 @p2 $0x1082  }
0x22: {  	[simem:s7], [sflag:s8] =	dma.local @!p0 [hbm:s6], $0xF7A  }
0x23: {  	s9 =	sor.u32 $0xD0000000, s2;
	s6 =	simm.s32 $0x108;
	_ =	swait.ge @!p0 [sflag:s8], $0x0  }
0x24: {  	s3 =	sadd.s32 $0x88, s3;
	s6 =	simm.s32 @!p1 $0x1082;
	[sflag:s4] =	ssyncset.s32 $0xFFFFF086  }
0x25: {  	[simem:s6], [sflag:s4] =	dma.local [hbm:s3], $0xF7A  }
0x26: {  	[smem:$0x3F9E] =	sst s1;
	(tag) =	ssettag s2;
	_ =	strace s9  }
0x27: {  	s1 =	sld [smem:$0x3FAE]  }
0x28: {  	s2 =	sld [smem:$0x3FAF]  }
0x29: {  	s4 =	sld [smem:$0x3FB1]  }
0x2a: {  	p0 =	seq.s32 s5, $0x0;
	s5 =	sld [smem:$0x3FB2]  }
0x2b: {  	s6 =	sld [smem:$0x3FB3]  }
0x2c: {  	s7 =	sld [smem:$0x3FB4]  }
0x2d: {  	s3 =	simm.s32 $0x108;
	s8 =	sld [smem:$0x3FB5]  }
0x2e: {  	s3 =	simm.s32 @!p0 $0x1082;
	s9 =	sld [smem:$0x3FB6]  }
0x2f: {  	lr =	sadd.s32 s0, s3;
	s0 =	sld [smem:$0x3FAD]  }
0x30: {  	s3 =	sld [smem:$0x3FB0]  }
0x31: {  	[smem:$0x3FB9] =	sst s10  }
0x32: {  	s10 =	sld [smem:$0x3FB7];
	_ =	sdelay $0x3  }
0x33: {  	p0 =	seq.s32 s10, $0x1;
	s10 =	sld [smem:$0x3FB9];
	_ =	sdelay $0x3  }
0x34: {  	[smem:$0x3FB9] =	sst s10  }
0x35: {  	s10 =	sld [smem:$0x3FB8];
	_ =	sdelay $0x3  }
0x36: {  	p1 =	seq.s32 s10, $0x1;
	s10 =	sld [smem:$0x3FB9];
	_ =	sdelay $0x3  }
0x37: {  	[smem:$0x3FB9] =	sst s10  }
0x38: {  	s10 =	sld [smem:$0x3FBA]  }
0x39: {  	_ = 	snop;
	(pc) =	sbr.ind lr, $3  }
0x3a: {  	_ = 	snop  }
0x3b: {  	_ = 	snop  }
0x3c: {  	p2 =	seq.s32 s10, $0x1;
	s10 =	sld [smem:$0x3FB9]  }
0x3d: {  	_ =	shalt  }
0x3e: {  	_ =	shalt  }
0x3f: {  	_ =	shalt  }
0x40: {  	_ =	shalt  }
0x41: {  	_ =	shalt  }
0x42: {  	_ =	shalt  }
0x43: {  	_ =	shalt  }
0x44: {  	_ =	shalt  }
0x45: {  	_ =	shalt  }
0x46: {  	_ =	shalt  }
0x47: {  	_ =	shalt  }
0x48: {  	_ =	shalt  }
0x49: {  	_ =	shalt  }
0x4a: {  	_ =	shalt  }
0x4b: {  	_ =	shalt  }
0x4c: {  	_ =	shalt  }
0x4d: {  	_ =	shalt  }
0x4e: {  	_ =	shalt  }
0x4f: {  	_ =	shalt  }
0x50: {  	_ =	shalt  }
0x51: {  	_ =	shalt  }
0x52: {  	_ =	shalt  }
0x53: {  	_ =	shalt  }
0x54: {  	_ =	shalt  }
0x55: {  	_ =	shalt  }
0x56: {  	_ =	shalt  }
0x57: {  	_ =	shalt  }
0x58: {  	_ =	shalt  }
0x59: {  	_ =	shalt  }
0x5a: {  	_ =	shalt  }
0x5b: {  	_ =	shalt  }
0x5c: {  	_ =	shalt  }
0x5d: {  	_ =	shalt  }
0x5e: {  	_ =	shalt  }
0x5f: {  	_ =	shalt  }
0x60: {  	_ =	shalt  }
0x61: {  	_ =	shalt  }
0x62: {  	_ =	shalt  }
0x63: {  	_ =	shalt  }
0x64: {  	_ =	shalt  }
0x65: {  	_ =	shalt  }
0x66: {  	_ =	shalt  }
0x67: {  	_ =	shalt  }
0x68: {  	_ =	shalt  }
0x69: {  	_ =	shalt  }
0x6a: {  	_ =	shalt  }
0x6b: {  	_ =	shalt  }
0x6c: {  	_ =	shalt  }
0x6d: {  	_ =	shalt  }
0x6e: {  	_ =	shalt  }
0x6f: {  	_ =	shalt  }
0x70: {  	_ =	shalt  }
0x71: {  	_ =	shalt  }
0x72: {  	_ =	shalt  }
0x73: {  	_ =	shalt  }
0x74: {  	_ =	shalt  }
0x75: {  	_ =	shalt  }
0x76: {  	_ =	shalt  }
0x77: {  	_ =	shalt  }
0x78: {  	_ =	shalt  }
0x79: {  	_ =	shalt  }
0x7a: {  	_ =	shalt  }
0x7b: {  	_ =	shalt  }
0x7c: {  	_ =	shalt  }
0x7d: {  	_ =	shalt  }
0x7e: {  	_ =	shalt  }
0x7f: {  	_ =	shalt  }
0x80: {  	_ =	shalt  }
0x81: {  	_ =	shalt  }
0x82: {  	_ =	shalt  }
0x83: {  	_ =	shalt  }
0x84: {  	_ =	shalt  }
0x85: {  	_ =	shalt  }
0x86: {  	_ =	shalt  }
0x87: {  	_ =	shalt  }
.Lfunc_end0:
.L_simem_size_0:
called_computation_lowered:
.L_overlay_start_0:
0x88: {  	s2 =	sld [smem:$0x3FD9]  }
0x89: {  	s3 =	sld [smem:$0x3FFE];
	_ =	sdelay $0x1  }
0x8a: {  	s1 =	srdreg.scid  }
0x8b: {  	s0 =	sand.u32 $0x1, s1  }
0x8c: {  	s14 =	sshll.u32 s0, $0xA;
	s2 =	sadd.s32 s3, s2  }
0x8d: {  	s2 =	sadd.s32 s2, s14  }
0x8e: {  	[smem:$0x3FC5] =	sst s2  }
0x8f: {  	_ = 	snop  }
0x90: {  	s2 =	sld [smem:$0x3FD0];
	_ =	sdelay $0x2  }
0x91: {  	s4 =	simm.s32 $0xA;
	s5 =	simm.s32 $0x10;
	s15 =	sld [smem:$0x3FC7]  }
0x92: {  	[smem:s5], [sflag:s4] =	dma.local [hbm:s2], $0x1  }
0x93: {  	_ =	swait.eq [sflag:s4], $0x1  }
0x94: {  	s16 =	sld [smem:$0x10];
	[sflag:s4] =	ssyncset.done $0x0  }
0x95: {  	s17 =	sld [smem:$0x11];
	[sflag:s4] =	ssyncadd.s32 $0xFFFFFFFF  }
0x96: {  	s18 =	sld [smem:$0x12];
	(tm) =	ssettm $0x1  }
0x97: {  	s6 =	sld [smem:$0x3FFB];
	_ =	sdelay $0x3  }
0x98: {  	_ =	strace s6  }
0x99: {  	s6 =	sld [smem:$0x3FFC];
	_ =	sdelay $0x3  }
0x9a: {  	_ =	strace s6  }
0x9b: {  	s6 =	sld [smem:$0x3FFD];
	_ =	sdelay $0x3  }
0x9c: {  	_ =	strace s6  }
0x9d: {  	_ =	strace $0x8FFFFFFF  }
0x9e: {  	s19 =	sld [smem:$0x3FDB];
	_ =	sdelay $0x1  }
0x9f: {  	s7 =	simm.s32 $_scs_section_size  }
0xa0: {  	s8 =	simm.s32 $_size__tile_overlayer_lowered;
	s9 =	simm.s32 $_tile_overlayer_lowered  }
0xa1: {  	s22 =	simm.s32 $0x1BFF;
	s21 =	sshll.u32 s9, $0x1;
	s6 =	sadd.s32 s7, s19  }
0xa2: {  	s10 =	simm.s32 $0x0;
	s20 =	sshll.u32 s8, $0x1;
	s8 =	sadd.s32 s21, s6  }
0xa3: {  	[timem:s10], [sflag:s22] =	dma.local [hbm:s8], s20  }
0xa4: {  	_ =	swait.ge [sflag:s22], s20  }
0xa5: {  	s7 =	ssub.s32 $0x0, s20;
	[sflag:s22] =	ssyncset.done $0x0  }
0xa6: {  	[sflag:s22] =	ssyncadd.s32 s7;
	_ =	sdelay $0x1  }
0xa7: {  	s23 =	simm.s32 $0x1B8B  }
0xa8: {  	_ =	swait.ge [sflag:s23], $0x1  }
0xa9: {  	[sflag:s23] =	ssyncset.done $0x0  }
0xaa: {  	s25 =	simm.s32 $0x1B8E;
	s24 =	sld [smem:$0x3FFE];
	[sflag:s23] =	ssyncadd.s32 $0xFFFFFFFF  }
0xab: {  	s26 =	simm.s32 $execute0_lowered;
	[smem:$0x3FD2] =	sst s25  }
0xac: {  	s8 =	sshll.u32 s26, $0x1;
	_ =	strace $0x80000046;
	[dreg:$0x1] =	wrdreg $0xFFFFFFFF  }
0xad: {  	s28 =	simm.s32 $_size_execute0_lowered;
	s6 =	sadd.s32 s6, s8;
	[dreg:$0x0] =	wrdreg $0x0  }
0xae: {  	s8 =	sshll.u32 s28, $0x1;
	[dreg:$0x2] =	wrdreg s6  }
0xaf: {  	[dreg:$0x3] =	wrdreg s8  }
0xb0: {  	[dreg:$0x4] =	wrdreg $0xC0  }
0xb1: {  	_ =	task [dreg:s10], $0x5FFFF  }
0xb2: {  	[dreg:$0x1] =	wrdreg $0xFFFFFFFF  }
0xb3: {  	[dreg:$0x0] =	wrdreg $0x60  }
0xb4: {  	[dreg:$0x2] =	wrdreg s24  }
0xb5: {  	[dreg:$0x3] =	wrdreg s15  }
0xb6: {  	[dreg:$0x4] =	wrdreg s16  }
0xb7: {  	[dreg:$0x5] =	wrdreg s17  }
0xb8: {  	[dreg:$0x6] =	wrdreg s18  }
0xb9: {  	[dreg:$0x7] =	wrdreg $0x9  }
0xba: {  	_ =	task.clear_ibuf [dreg:s10], $0x8FFFF;
	_ =	strace $0x90000046  }
0xbb: {  	s29 =	simm.s32 $0x9;
	_ =	strace $0x80000048  }
0xbc: {  	_ =	swait.ge [sflag:s29], $0x1  }
0xbd: {  	[sflag:s29] =	ssyncadd.s32 $0xFFFFFFFF  }
0xbe: {  	_ =	strace $0x90000048  }
0xbf: {  	_ =	sfence  }
0xc0: {  	s30 =	sld [smem:$0x0];
	_ =	sdelay $0x2  }
0xc1: {  	s31 =	sshll.u32 s1, $0xD;
	s1 =	sshrl.u32 s1, $0x2  }
0xc2: {  	s3 =	sand.u32 $0x4000, s31;
	s1 =	sadd.s32 s1, s30  }
0xc3: {  	s0 =	sor.u32 s3, s0;
	s1 =	sshll.u32 s1, $0x11  }
0xc4: {  	s0 =	sor.u32 s1, s0  }
0xc5: {  	s0 =	sadd.s32 $0x8F2B, s0  }
0xc6: {  	[sflag:s0] =	ssyncadd.remote.s32 $0x1  }
0xc7: {  	_ =	sfence.sel $0xFFFF  }
0xc8: {  	[dreg:$0x0] =	wrdreg $0xFFFFFFFF;
	(pc) =	sbr.abs _section_cstart, $3  }
0xc9: {  	[dreg:$0x1] =	wrdreg $0xFFFFFFFF  }
0xca: {  	_ =	task.clear_ibuf [dreg:s10], $0x2FFFF;
	_ =	strace $0x9FFFFFFF  }
0xcb: {  	(tm) =	ssettm $0x7FFFFFFF  }
tec
execute0_lowered:
.L_overlay_start_1:
0x0: {  	(tag) =	ssettag $0x1  }
0x1: {  	s0 =	rddreg [dreg:$0x0]  }
0x2: {  	s1 =	rddreg [dreg:$0x2]  }
0x3: {  	s2 =	rddreg [dreg:$0x3]  }
0x4: {  	s14 =	rddreg [dreg:$0x4]  }
0x5: {  	s3 =	srdreg.scid;
	s5 =	stileid.u32;
	s16 =	simm.s32 $0x80  }
0x6: {  	s17 =	simm.s32 $0x400;
	s19 =	simm.s32 $0xC00;
	s20 =	simm.s32 $0x1400  }
0x7: {  	s21 =	simm.s32 $0x1800;
	s22 =	simm.s32 $0x1C00;
	s23 =	simm.s32 $0x2000  }
0x8: {  	s24 =	simm.s32 $0x2;
	s25 =	simm.s32 $0x1;
	s26 =	simm.s32 $0x2080  }
0x9: {  	s28 =	simm.s32 $0x2880;
	s29 =	simm.s32 $0x3080;
	s30 =	simm.s32 $0x0  }
0xa: {  	s4 =	sand.u32 $0x1, s3;
	s5 =	sshll.u32 s5, $0x1;
	s3 =	simm.s32 $0x0  }
0xb: {  	s12 =	sor.u32 s4, s5;
	s4 =	ssub.s32 $0x2, s4;
	[smem:$0x7FF] =	sst s3  }
0xc: {  	s5 =	sshll.u32 s12, $0xA;
	s6 =	sshrl.u32 s4, $0x1;
	_ =	strace $0x80000047  }
0xd: {  	s31 =	sshll.u32 s12, $0x8;
	s0 =	sadd.s32 s5, s0;
	s15 =	ssub.s32 s4, s6  }
0xe: {  	s12 =	sadd.s32 s1, s31;
	s13 =	sadd.s32 s2, s31;
	s14 =	sadd.s32 s14, s31  }
0xf: {  	v0 =	vimm.s32 $0x1;
	v1 =	vimm.s32 $0x2;
	s4 =	sadd.s32 $0xA00, s0;
	s5 =	sadd.s32 $0xA10, s0;
	s6 =	sadd.s32 $0xA20, s0  }
0x10: {  	v2 =	vimm.s32 $0x3;
	v3 =	vimm.s32 $0x4;
	v4 =	vimm.s32 $0x5;
	s7 =	sadd.s32 $0xA30, s0;
	s8 =	sadd.s32 $0xA40, s0;
	s9 =	sadd.s32 $0xA50, s0  }
0x11: {  	v5 =	vimm.s32 $0x6;
	v6 =	vimm.s32 $0x7;
	v7 =	vimm.s32 $0x0;
	s10 =	sadd.s32 $0xA60, s0;
	s11 =	sadd.s32 $0xA70, s0;
	s15 =	smax.u32 s15, $0x1  }
.LBB2_1:
0x12: {  	[tilespmem:s3], [sflag:$0x1] =	stream.strided.gather [hbm4b:s4+s16], $0x400, s17, s16, $0x38;
	[tilespmem:$0x3880] =	vst v63  }
0x13: {  	_ = 	snop  }
0x14: {  	[tilespmem:s17], [sflag:$0x1] =	stream.strided.gather [hbm4b:s5+s16], $0x400, s17, s16, $0x38;
	[tilespmem:$0x3880] =	vst v63  }
0x15: {  	s0 =	simm.s32 $0x800  }
0x16: {  	[tilespmem:s0], [sflag:$0x1] =	stream.strided.gather [hbm4b:s6+s16], $0x400, s17, s16, $0x38;
	[tilespmem:$0x3880] =	vst v63  }
0x17: {  	_ = 	snop  }
0x18: {  	[tilespmem:s19], [sflag:$0x1] =	stream.strided.gather [hbm4b:s7+s16], $0x400, s17, s16, $0x38;
	[tilespmem:$0x3880] =	vst v63  }
0x19: {  	s31 =	simm.s32 $0x1000  }
0x1a: {  	[tilespmem:s31], [sflag:$0x1] =	stream.strided.gather [hbm4b:s8+s16], $0x400, s17, s16, $0x38;
	[tilespmem:$0x3880] =	vst v63  }
0x1b: {  	_ = 	snop  }
0x1c: {  	[tilespmem:s20], [sflag:$0x1] =	stream.strided.gather [hbm4b:s9+s16], $0x400, s17, s16, $0x38;
	[tilespmem:$0x3880] =	vst v63  }
0x1d: {  	_ = 	snop  }
0x1e: {  	[tilespmem:s21], [sflag:$0x1] =	stream.strided.gather [hbm4b:s10+s16], $0x400, s17, s16, $0x38;
	[tilespmem:$0x3880] =	vst v63  }
0x1f: {  	_ = 	snop  }
0x20: {  	[tilespmem:s22], [sflag:$0x1] =	stream.strided.gather [hbm4b:s11+s16], $0x400, s17, s16, $0x38;
	[tilespmem:$0x3880] =	vst v63  }
0x21: {  	s18 =	rddreg [dreg:$0x1]  }
0x22: {  	[tilespmem:s23], [sflag:$0x2] =	stream.linear.gather [hbm4b:s18+s3], $0x80, $0x38;
	[tilespmem:$0x3880] =	vst v63  }
0x23: {  	_ =	swait.ge [sflag:s24], $0x80  }
0x24: {  	[sflag:s24] =	ssyncset.done $0x0  }
0x25: {  	[sflag:s24] =	ssyncadd.s32 $0xFFFFFF80  }
0x26: {  	_ =	swait.ge [sflag:s25], $0x400  }
0x27: {  	[sflag:s25] =	ssyncset.done $0x0  }
0x28: {  	[sflag:s25] =	ssyncadd.s32 $0xFFFFFC00  }
0x29: {  	_ =	swait.ge [sflag:s25], $0x400  }
0x2a: {  	[sflag:s25] =	ssyncset.done $0x0  }
0x2b: {  	[sflag:s25] =	ssyncadd.s32 $0xFFFFFC00  }
0x2c: {  	_ =	swait.ge [sflag:s25], $0x400  }
0x2d: {  	[sflag:s25] =	ssyncset.done $0x0  }
0x2e: {  	[sflag:s25] =	ssyncadd.s32 $0xFFFFFC00  }
0x2f: {  	_ =	swait.ge [sflag:s25], $0x400  }
0x30: {  	[sflag:s25] =	ssyncset.done $0x0  }
0x31: {  	[sflag:s25] =	ssyncadd.s32 $0xFFFFFC00  }
0x32: {  	_ =	swait.ge [sflag:s25], $0x400  }
0x33: {  	[sflag:s25] =	ssyncset.done $0x0  }
0x34: {  	[sflag:s25] =	ssyncadd.s32 $0xFFFFFC00  }
0x35: {  	_ =	swait.ge [sflag:s25], $0x400  }
0x36: {  	[sflag:s25] =	ssyncset.done $0x0  }
0x37: {  	[sflag:s25] =	ssyncadd.s32 $0xFFFFFC00  }
0x38: {  	_ =	swait.ge [sflag:s25], $0x400  }
0x39: {  	[sflag:s25] =	ssyncset.done $0x0  }
0x3a: {  	[sflag:s25] =	ssyncadd.s32 $0xFFFFFC00  }
0x3b: {  	_ =	swait.ge [sflag:s25], $0x400  }
0x3c: {  	[sflag:s25] =	ssyncset.done $0x0  }
0x3d: {  	[sflag:s25] =	ssyncadd.s32 $0xFFFFFC00  }
0x3e: {  	v8 =	vld.msk [tilespmem:s23+$0x0], $0xffff  }
0x3f: {  	v9 =	vld.idx.msk [tilespmem:v0+s23+$0x0], $0xffff  }
0x40: {  	v10 =	vld.idx.msk [tilespmem:v1+s23+$0x0], $0xffff  }
0x41: {  	v11 =	vld.idx.msk [tilespmem:v2+s23+$0x0], $0xffff  }
0x42: {  	v12 =	vld.idx.msk [tilespmem:v3+s23+$0x0], $0xffff  }
0x43: {  	v13 =	vld.idx.msk [tilespmem:v4+s23+$0x0], $0xffff  }
0x44: {  	s2 =	simm.s32 $0x3100;
	v14 =	vld.idx.msk [tilespmem:v5+s23+$0x0], $0xffff  }
0x45: {  	s1 =	simm.s32 $0x2100;
	s0 =	simm.s32 $0xFFFFFFF8;
	s18 =	simm.s32 $0x2900;
	v15 =	vld.idx.msk [tilespmem:v6+s23+$0x0], $0xffff  }
.LBB2_2:
0x46: {  	v16 =	vld [tilespmem:s31+$0xFFFFF400]  }
0x47: {  	v17 =	vld [tilespmem:s31+$0xFFFFF000]  }
0x48: {  	v18 =	vld [tilespmem:s31+$0xFFFFF800]  }
0x49: {  	v19 =	vld [tilespmem:s31+$0xFFFFFC00]  }
0x4a: {  	v21 =	vld [tilespmem:s31+$0x0]  }
0x4b: {  	v35 =	vld [tilespmem:s31+$0x400]  }
0x4c: {  	v37 =	vld [tilespmem:s31+$0x800]  }
0x4d: {  	v24 =	vld [tilespmem:s31+$0xC00]  }
0x4e: {  	v46 =	vld [tilespmem:s31+$0x10]  }
0x4f: {  	v52 =	vld [tilespmem:s31+$0x810]  }
0x50: {  	v53 =	vld [tilespmem:s31+$0xC10];
	v16 =	vadd.f32 v16, v9  }
0x51: {  	v38 =	vimm.s32 $0x0;
	v32 =	vld [tilespmem:s31+$0xFFFFF420];
	v17 =	vadd.f32 v17, v8;
	v18 =	vadd.f32 v18, v10  }
0x52: {  	v41 =	vimm.s32 $0x0;
	v29 =	vld [tilespmem:s31+$0xFFFFFC20];
	v19 =	vadd.f32 v19, v11;
	v36 =	vadd.f32 v21, v12  }
0x53: {  	v43 =	vimm.s32 $0x0;
	v39 =	vadd.f32 v35, v13;
	v21 =	vadd.f32 v37, v14  }
0x54: {  	v25 =	vimm.s32 $0x0;
	v24 =	vadd.f32 v24, v15;
	v51 =	vadd.f32 v46, v12  }
0x55: {  	v26 =	vimm.s32 $0x0;
	v54 =	vadd.f32 v52, v14;
	v56 =	vadd.f32 v53, v15  }
0x56: {  	v40 =	vld [tilespmem:s31+$0xFFFFF410];
	v28 =	vadd.f32 v32, v9;
	vm1 =	vlt.f32 v16, $-Inf;
	vm2 =	vgt.f32 v16, $-Inf  }
0x57: {  	v32 =	vld [tilespmem:s31+$0x20];
	v29 =	vadd.f32 v29, v11;
	vm0 =	vgt.f32 v16, v17;
	vm1 =	vmor vm2, vm1  }
0x58: {  	vm13 =	vmneg vm0;
	v23 =	vsel vm0, $0x1, v7;
	v20 =	vnsel vm1, $0xFF800000, v16  }
0x59: {  	v16 =	vsel vm13, v17, v16;
	vm1 =	vmand vm13, vm1;
	v20 =	vsel vm13, v20, v17  }
0x5a: {  	vm9 =	vgt.f32 v18, v16;
	v22 =	vsel vm1, $0x1, v7;
	vm6 =	vgt.f32 v18, v20  }
0x5b: {  	v17 =	vsel vm6, v18, v20;
	v22 =	vsel vm6, $0x2, v22;
	v20 =	vadd.f32 v40, v9  }
0x5c: {  	v40 =	vadd.f32 v32, v12;
	v17 =	vsel vm9, v16, v17;
	v16 =	vsel vm9, v18, v16  }
0x5d: {  	v22 =	vsel vm9, v23, v22;
	vm10 =	vgt.f32 v19, v17;
	vm5 =	vgt.f32 v19, v16  }
0x5e: {  	vm7 =	vlt.f32 v20, $-Inf;
	vm8 =	vgt.f32 v20, $-Inf;
	v17 =	vsel vm10, v19, v17  }
0x5f: {  	v23 =	vsel vm9, $0x2, v23;
	vm13 =	vmor vm8, vm7;
	v17 =	vsel vm5, v16, v17  }
0x60: {  	v42 =	vld [tilespmem:s31+$0xFFFFF010];
	v22 =	vsel vm10, $0x3, v22;
	v16 =	vsel vm5, v19, v16;
	vm3 =	vgt.f32 v36, v17  }
0x61: {  	vm4 =	vgt.f32 v36, v16;
	v19 =	vsel vm3, $0xFFFFFFFF, v38;
	v17 =	vsel vm3, v36, v17;
	v38 =	vld [tilespmem:s31+$0x420]  }
0x62: {  	v45 =	vnsel vm13, $0xFF800000, v20;
	v22 =	vsel vm5, v23, v22;
	v17 =	vsel vm4, v16, v17  }
0x63: {  	v23 =	vsel vm5, $0x3, v23;
	v16 =	vsel vm4, v36, v16;
	vm14 =	vgt.f32 v39, v17  }
0x64: {  	v44 =	vld [tilespmem:s31+$0xFFFFF810];
	[tilespmem:$0x1FD30] =	vst v19;
	vm3 =	vgt.f32 v39, v16;
	v18 =	vsel vm14, $0xFFFFFFFF, v41;
	v17 =	vsel vm14, v39, v17  }
0x65: {  	v55 =	vld [tilespmem:$0x1FD30];
	[tilespmem:$0x1FD40] =	vst v18;
	v17 =	vsel vm3, v16, v17;
	v16 =	vsel vm3, v39, v16;
	v18 =	vadd.f32 v42, v8  }
0x66: {  	vm15 =	vgt.f32 v21, v17;
	vm6 =	vgt.f32 v21, v16;
	v42 =	vadd.f32 v38, v13  }
0x67: {  	v19 =	vsel vm15, $0xFFFFFFFF, v43;
	v17 =	vsel vm15, v21, v17;
	vm11 =	vgt.f32 v20, v18  }
0x68: {  	v57 =	vld [tilespmem:$0x1FD40];
	v21 =	vsel vm6, v21, v16;
	v17 =	vsel vm6, v16, v17;
	v25 =	vsel vm11, $0xFFFFFFFF, v25  }
0x69: {  	[tilespmem:$0x1FD60] =	vst v19;
	v16 =	vld [tilespmem:s31+$0xFFFFFC10];
	vm15 =	vmneg vm11;
	v19 =	vadd.f32 v44, v10;
	vm2 =	vgt.f32 v24, v21  }
0x6a: {  	vm5 =	vnez.u8 v55;
	[tilespmem:$0x1FD50] =	vst v25;
	vm14 =	vgt.f32 v24, v17;
	v25 =	vsel vm15, v45, v18  }
0x6b: {  	v18 =	vsel vm15, v18, v20;
	v22 =	vsel vm5, $0x4, v22;
	v26 =	vsel vm14, $0xFFFFFFFF, v26  }
0x6c: {  	v17 =	vsel vm14, v24, v17;
	vm11 =	vgt.f32 v19, v25;
	vm12 =	vgt.f32 v19, v18  }
0x6d: {  	v49 =	vld [tilespmem:s31+$0x410];
	v22 =	vsel vm4, v23, v22;
	v23 =	vsel vm4, $0x4, v23;
	v47 =	vsel vm11, v19, v25  }
0x6e: {  	vm4 =	vnez.u8 v57;
	v20 =	vsel vm12, v18, v47;
	v48 =	vadd.f32 v16, v11  }
0x6f: {  	v18 =	vsel vm12, v19, v18;
	v16 =	vsel vm2, v21, v17;
	v17 =	vsel vm2, v24, v21  }
0x70: {  	v22 =	vsel vm4, $0x5, v22;
	v24 =	vsub.f32 v16, v17;
	vm8 =	vgt.f32 v48, v20  }
0x71: {  	vm4 =	vmand vm15, vm13;
	vm14 =	vgt.f32 v48, v18;
	v50 =	vsel vm8, v48, v20  }
0x72: {  	v60 =	vld [tilespmem:$0x1FD50];
	v21 =	vadd.f32 v49, v13;
	v24 =	vmul.f32 $1.442695020e+00, v24;
	v19 =	vsel vm14, v18, v50  }
0x73: {  	v58 =	vsel vm4, $0x1, v7;
	v18 =	vsel vm14, v48, v18;
	vm10 =	vgt.f32 v51, v19  }
0x74: {  	v27 =	vld [tilespmem:$0x1FD60];
	vm9 =	vgt.f32 v51, v18;
	(erf) = vpow2.f32 v24;
	v19 =	vsel vm10, v51, v19  }
0x75: {  	v33 =	vld [tilespmem:s31+$0xFFFFF020];
	v63 =	vsel vm3, v23, v22;
	v23 =	vsel vm3, $0x5, v23;
	v19 =	vsel vm9, v18, v19  }
0x76: {  	v62 =	vsel vm11, $0x2, v58;
	v18 =	vsel vm9, v51, v18;
	vm7 =	vgt.f32 v21, v19  }
0x77: {  	vm15 =	vnez.u8 v60;
	vm0 =	vgt.f32 v21, v18;
	v19 =	vsel vm7, v21, v19  }
0x78: {  	vm11 =	vgt.f32 v28, $-Inf;
	v61 =	vsel vm15, $0x1, v7;
	v19 =	vsel vm0, v18, v19  }
0x79: {  	vm15 =	vnez.u8 v27;
	v18 =	vsel vm0, v21, v18;
	vm1 =	vgt.f32 v54, v19  }
0x7a: {  	[tilespmem:$0x1FD70] =	vst v26;
	v27 =	vadd.f32 v33, v8;
	vm5 =	vgt.f32 v54, v18;
	v19 =	vsel vm1, v54, v19  }
0x7b: {  	v34 =	vld [tilespmem:$0x1FD70];
	v26 =	vsel vm12, $0x2, v61;
	v21 =	vsel vm15, $0x6, v63;
	v19 =	vsel vm5, v18, v19  }
0x7c: {  	v35 =	vld [tilespmem:s31+$0xFFFFF820];
	v21 =	vsel vm6, v23, v21;
	v20 =	vsel vm5, v54, v18;
	vm13 =	vgt.f32 v56, v19  }
0x7d: {  	v23 =	vsel vm6, $0x6, v23;
	vm4 =	vgt.f32 v56, v20;
	v25 =	vpop (erf);
	v59 =	vsel vm13, v56, v19  }
0x7e: {  	v19 =	vsel vm4, v56, v20;
	v31 =	vadd.f32 $1.000000000e+00, v25;
	v18 =	vsel vm4, v20, v59  }
0x7f: {  	v20 =	vsel vm12, v61, v62;
	vm12 =	vgt.f32 v28, v27;
	v30 =	vsub.f32 v18, v19  }
0x80: {  	v20 =	vsel vm8, $0x3, v20;
	(erf) = vrcp.f32 v31;
	vm8 =	vnez.u8 v34  }
0x81: {  	v31 =	vadd.f32 v35, v10;
	v20 =	vsel vm14, v26, v20;
	v22 =	vmul.f32 $1.442695020e+00, v30  }
0x82: {  	v41 =	vsel vm12, $0x1, v7;
	v34 =	vld [tilespmem:s31+$0x820];
	v26 =	vsel vm14, $0x3, v26;
	v20 =	vsel vm10, $0x4, v20  }
0x83: {  	v21 =	vsel vm8, $0x7, v21;
	v20 =	vsel vm9, v26, v20;
	(erf) = vpow2.f32 v22  }
0x84: {  	v47 =	vld [tilespmem:s31+$0xFFFFF030];
	vm10 =	vlt.f32 v28, $-Inf;
	v26 =	vsel vm9, $0x4, v26;
	v20 =	vsel vm7, $0x5, v20  }
0x85: {  	v22 =	vsel vm2, v23, v21;
	v23 =	vsel vm2, $0x7, v23;
	v20 =	vsel vm0, v26, v20  }
0x86: {  	v26 =	vsel vm0, $0x5, v26;
	vm0 =	vmor vm11, vm10;
	v20 =	vsel vm1, $0x6, v20  }
0x87: {  	v46 =	vadd.f32 v34, v14;
	v36 =	vsel vm5, $0x6, v26;
	v20 =	vsel vm5, v26, v20  }
0x88: {  	v30 =	vnsel vm0, $0xFF800000, v28;
	v20 =	vsel vm13, $0x7, v20;
	vm13 =	vmneg vm12  }
0x89: {  	v34 =	vadd.f32 v47, v8;
	v21 =	vsel vm4, $0x7, v36;
	v30 =	vsel vm13, v30, v27  }
0x8a: {  	v20 =	vsel vm4, v36, v20;
	v27 =	vsel vm13, v27, v28;
	vm14 =	vgt.f32 v31, v30  }
0x8b: {  	v26 =	vpop (erf);
	vm0 =	vmand vm13, vm0;
	vm15 =	vgt.f32 v31, v27;
	v37 =	vsel vm14, v31, v30  }
0x8c: {  	v43 =	vsel vm15, $0x2, v41;
	v28 =	vsel vm15, v27, v37;
	v27 =	vsel vm15, v31, v27;
	v24 =	vpop (erf)  }
0x8d: {  	vm7 =	vgt.f32 v29, v28;
	vm8 =	vgt.f32 v29, v27;
	v33 =	vadd.f32 $1.000000000e+00, v24  }
0x8e: {  	v45 =	vld [tilespmem:s31+$0xC20];
	v39 =	vsel vm0, $0x1, v7;
	v28 =	vsel vm7, v29, v28;
	v30 =	vsel vm8, $0x3, v43  }
0x8f: {  	v28 =	vsel vm8, v27, v28;
	v27 =	vsel vm8, v29, v27;
	(erf) = vrcp.f32 v33  }
0x90: {  	v62 =	vld [tilespmem:s31+$0xFFFFF840];
	v33 =	vsel vm14, $0x2, v39;
	vm9 =	vgt.f32 v40, v28;
	vm10 =	vgt.f32 v40, v27  }
0x91: {  	v39 =	vld [tilespmem:s31+$0x830];
	v33 =	vsel vm15, v41, v33;
	v28 =	vsel vm9, v40, v28;
	v48 =	vsel vm10, $0x4, v30  }
0x92: {  	v50 =	vld [tilespmem:s31+$0xFFFFF430];
	v44 =	vsel vm7, $0x3, v33;
	v28 =	vsel vm10, v27, v28;
	v27 =	vsel vm10, v40, v27  }
0x93: {  	v41 =	vld [tilespmem:s31+$0xFFFFF040];
	v33 =	vadd.f32 v45, v15;
	v32 =	vsel vm8, v43, v44;
	vm11 =	vgt.f32 v42, v28  }
0x94: {  	vm12 =	vgt.f32 v42, v27;
	v28 =	vsel vm11, v42, v28;
	v32 =	vsel vm9, $0x4, v32  }
0x95: {  	v40 =	vld [tilespmem:s31+$0xFFFFF440];
	v51 =	vsel vm12, $0x5, v48;
	v28 =	vsel vm12, v27, v28;
	v32 =	vsel vm10, v30, v32  }
0x96: {  	v27 =	vsel vm12, v42, v27;
	v61 =	vadd.f32 v39, v14;
	v39 =	vadd.f32 v62, v10  }
0x97: {  	v62 =	vimm.s32 $0x0;
	vm13 =	vgt.f32 v46, v28;
	vm14 =	vgt.f32 v46, v27  }
0x98: {  	v56 =	vld [tilespmem:s31+$0xFFFFFC30];
	v49 =	vsel vm11, $0x5, v32;
	v32 =	vadd.f32 v50, v9;
	v41 =	vadd.f32 v41, v8  }
0x99: {  	v43 =	vld [tilespmem:s31+$0xFFFFFC40];
	v28 =	vsel vm13, v46, v28;
	v30 =	vsel vm12, v48, v49;
	v53 =	vsel vm14, $0x6, v51  }
0x9a: {  	v63 =	vadd.f32 v40, v9;
	v28 =	vsel vm14, v27, v28;
	v27 =	vsel vm14, v46, v27  }
0x9b: {  	v35 =	vsel vm13, $0x6, v30;
	vm7 =	vgt.f32 v32, v34;
	vm8 =	vlt.f32 v32, $-Inf  }
0x9c: {  	v55 =	vld [tilespmem:s31+$0xFFFFF830];
	vm9 =	vgt.f32 v32, $-Inf;
	vm15 =	vgt.f32 v33, v28;
	vm6 =	vgt.f32 v33, v27  }
0x9d: {  	v52 =	vsel vm14, v51, v35;
	vm10 =	vmneg vm7;
	vm1 =	vmor vm9, vm8  }
0x9e: {  	v37 =	vsel vm7, $0x1, v7;
	v35 =	vadd.f32 v56, v11;
	v51 =	vadd.f32 v43, v11  }
0x9f: {  	v48 =	vld [tilespmem:s31+$0xC30];
	v56 =	vimm.s32 $0x0;
	v28 =	vsel vm15, v33, v28;
	v30 =	vsel vm6, v33, v27  }
0xa0: {  	v58 =	vld [tilespmem:s31+$0x30];
	v57 =	vnsel vm1, $0xFF800000, v32;
	vm1 =	vmand vm10, vm1;
	v29 =	vsel vm6, v27, v28  }
0xa1: {  	v33 =	vadd.f32 v55, v10;
	v32 =	vsel vm10, v34, v32;
	v54 =	vsub.f32 v29, v30  }
0xa2: {  	v27 =	vsel vm15, $0x7, v52;
	v28 =	vsel vm6, $0x7, v53;
	v36 =	vsel vm1, $0x1, v7;
	v52 =	vld [tilespmem:s31+$0x440]  }
0xa3: {  	vm1 =	vgt.f32 v63, v41;
	v27 =	vsel vm6, v53, v27;
	v31 =	vmul.f32 $1.442695020e+00, v54  }
0xa4: {  	v59 =	vld [tilespmem:s31+$0x430];
	vm11 =	vgt.f32 v33, v32;
	v40 =	vadd.f32 v48, v15;
	v53 =	vimm.s32 $0x0  }
0xa5: {  	(erf) = vpow2.f32 v31;
	v31 =	vsel vm10, v57, v34;
	v34 =	vadd.f32 v58, v12  }
0xa6: {  	vm10 =	vlt.f32 v63, $-Inf;
	v57 =	vimm.s32 $0x0;
	vm12 =	vgt.f32 v33, v31  }
0xa7: {  	v58 =	vadd.f32 v52, v13;
	v31 =	vsel vm12, v33, v31;
	v36 =	vsel vm12, $0x2, v36  }
0xa8: {  	v31 =	vsel vm11, v32, v31;
	v36 =	vsel vm11, v37, v36;
	v32 =	vsel vm11, v33, v32  }
0xa9: {  	v37 =	vsel vm11, $0x2, v37;
	v33 =	vadd.f32 v59, v13;
	vm11 =	vgt.f32 v63, $-Inf  }
0xaa: {  	vm13 =	vgt.f32 v35, v32;
	vm14 =	vgt.f32 v35, v31;
	vm3 =	vmor vm11, vm10  }
0xab: {  	v31 =	vsel vm14, v35, v31;
	v36 =	vsel vm14, $0x3, v36;
	v35 =	vsel vm13, v35, v32  }
0xac: {  	v50 =	vld [tilespmem:s31+$0x40];
	v44 =	vnsel vm3, $0xFF800000, v63;
	v38 =	vsel vm13, v32, v31;
	v36 =	vsel vm13, v37, v36  }
0xad: {  	v37 =	vsel vm13, $0x3, v37;
	vm15 =	vgt.f32 v34, v35;
	vm4 =	vgt.f32 v34, v38  }
0xae: {  	v38 =	vsel vm4, v34, v38;
	v36 =	vsel vm4, $0x4, v36;
	v34 =	vsel vm15, v34, v35  }
0xaf: {  	vm4 =	vmneg vm1;
	v38 =	vsel vm15, v35, v38;
	v36 =	vsel vm15, v37, v36  }
0xb0: {  	v32 =	vpop (erf);
	v35 =	vsel vm15, $0x4, v37;
	vm8 =	vgt.f32 v33, v34;
	v49 =	vsel vm4, v44, v41  }
0xb1: {  	v31 =	vpop (erf);
	v44 =	vadd.f32 v50, v12;
	v50 =	vimm.s32 $0x0;
	vm3 =	vmand vm4, vm3  }
0xb2: {  	v42 =	vadd.f32 $1.000000000e+00, v31;
	vm5 =	vgt.f32 v33, v38;
	vm2 =	vgt.f32 v39, v49  }
0xb3: {  	v60 =	vsel vm5, v33, v38;
	v33 =	vsel vm8, v33, v34;
	v36 =	vsel vm5, $0x5, v36  }
0xb4: {  	v37 =	vsel vm8, v34, v60;
	vm6 =	vgt.f32 v61, v33;
	v34 =	vsel vm4, v41, v63  }
0xb5: {  	(erf) = vrcp.f32 v42;
	v36 =	vsel vm8, v35, v36;
	v60 =	vimm.s32 $0x0  }
0xb6: {  	vm9 =	vgt.f32 v61, v37;
	v38 =	vsel vm6, v61, v33;
	vm0 =	vgt.f32 v39, v34  }
0xb7: {  	v55 =	vld [tilespmem:s31+$0x840];
	v37 =	vsel vm9, v61, v37;
	vm5 =	vgt.f32 v40, v38;
	v36 =	vsel vm9, $0x6, v36  }
0xb8: {  	v59 =	vld [tilespmem:s31+$0xFFFFF450];
	v37 =	vsel vm6, v33, v37;
	v33 =	vsel vm2, v39, v49;
	v39 =	vsel vm0, v39, v34  }
0xb9: {  	v61 =	vld [tilespmem:s31+$0xC40];
	vm7 =	vgt.f32 v40, v37;
	v33 =	vsel vm0, v34, v33;
	vm12 =	vgt.f32 v51, v39  }
0xba: {  	v37 =	vsel vm7, v40, v37;
	vm15 =	vgt.f32 v51, v33;
	v34 =	vsel vm12, $0xFFFFFFFF, v53  }
0xbb: {  	v52 =	vld [tilespmem:s31+$0xFFFFF850];
	[tilespmem:$0x1FD80] =	vst v34;
	v45 =	vsel vm15, v51, v33;
	v33 =	vsel vm5, v38, v37;
	v34 =	vsel vm5, v40, v38  }
0xbc: {  	v63 =	vld [tilespmem:s31+$0xFFFFF050];
	v38 =	vadd.f32 v55, v14;
	v55 =	vimm.s32 $0x0;
	v54 =	vsel vm12, v39, v45  }
0xbd: {  	v40 =	vsub.f32 v33, v34;
	v39 =	vsel vm12, v51, v39;
	v45 =	vsel vm8, $0x5, v35  }
0xbe: {  	v51 =	vadd.f32 v59, v9;
	v53 =	vadd.f32 v61, v15;
	vm13 =	vgt.f32 v44, v54  }
0xbf: {  	vm10 =	vgt.f32 v44, v39;
	v41 =	vsel vm13, $0xFFFFFFFF, v56;
	v37 =	vsel vm13, v44, v54  }
0xc0: {  	v40 =	vmul.f32 $1.442695020e+00, v40;
	vm13 =	vlt.f32 v51, $-Inf;
	v54 =	vimm.s32 $0x0  }
0xc1: {  	v56 =	vadd.f32 v63, v8;
	v63 =	vadd.f32 v52, v10;
	v52 =	vimm.s32 $0x0  }
0xc2: {  	[tilespmem:$0x1FD90] =	vst v41;
	v41 =	vsel vm10, $0xFFFFFFFF, v57;
	v37 =	vsel vm10, v39, v37;
	v39 =	vsel vm10, v44, v39  }
0xc3: {  	v57 =	vsel vm6, v45, v36;
	vm14 =	vgt.f32 v58, v37;
	vm10 =	vgt.f32 v58, v39  }
0xc4: {  	(erf) = vpow2.f32 v40;
	v43 =	vsel vm7, $0x7, v57;
	v42 =	vsel vm14, $0xFFFFFFFF, v60  }
0xc5: {  	v44 =	vsel vm10, $0xFFFFFFFF, v62;
	v37 =	vsel vm14, v58, v37;
	v49 =	vsel vm10, v58, v39  }
0xc6: {  	vm14 =	vgt.f32 v51, $-Inf;
	v60 =	vimm.s32 $0x0;
	v62 =	vimm.s32 $0x0  }
0xc7: {  	v59 =	vld [tilespmem:s31+$0xFFFFFC50];
	v48 =	vsel vm10, v39, v37;
	vm10 =	vgt.f32 v38, v49;
	vm9 =	vmor vm14, vm13  }
0xc8: {  	v46 =	vld [tilespmem:s31+$0x50];
	[tilespmem:$0x1FDB0] =	vst v42;
	vm13 =	vgt.f32 v51, v56;
	vm12 =	vgt.f32 v38, v48;
	v42 =	vsel vm9, $0xFFFFFFFF, v54  }
0xc9: {  	[tilespmem:$0x1FDC0] =	vst v44;
	v58 =	vsel vm10, v38, v49;
	v61 =	vnsel vm9, $0xFF800000, v51;
	v44 =	vsel vm13, $0xFFFFFFFF, v62  }
0xca: {  	vm9 =	vmneg vm13;
	v54 =	vimm.s32 $0x0;
	v39 =	vsel vm12, $0xFFFFFFFF, v50  }
0xcb: {  	v35 =	vsel vm12, v38, v48;
	[tilespmem:$0x1FDE0] =	vst v42;
	v42 =	vsel vm10, $0xFFFFFFFF, v55;
	vm14 =	vgt.f32 v53, v58  }
0xcc: {  	v48 =	vimm.s32 $0x0;
	v50 =	vsel vm9, v61, v56;
	v38 =	vadd.f32 v59, v11  }
0xcd: {  	v55 =	vadd.f32 v46, v12;
	v35 =	vsel vm10, v49, v35;
	v40 =	vsel vm14, $0xFFFFFFFF, v48  }
0xce: {  	[tilespmem:$0x1FDD0] =	vst v39;
	v36 =	vsel vm14, v53, v58;
	v49 =	vimm.s32 $0x0;
	v39 =	vsel vm9, v56, v51  }
0xcf: {  	v57 =	vld [tilespmem:s31+$0x850];
	v51 =	vimm.s32 $0x0;
	v56 =	vimm.s32 $0x0;
	vm12 =	vgt.f32 v53, v35  }
0xd0: {  	[tilespmem:$0x1FE80] =	vst v40;
	v40 =	vsel vm9, $0xFFFFFFFF, v49;
	vm13 =	vgt.f32 v63, v39;
	v49 =	vimm.s32 $0x0  }
0xd1: {  	[tilespmem:$0x1FDA0] =	vst v41;
	v37 =	vsel vm12, $0xFFFFFFFF, v60;
	v35 =	vsel vm12, v53, v35;
	vm12 =	vgt.f32 v63, v50  }
0xd2: {  	[tilespmem:$0x1FE40] =	vst v42;
	v48 =	vld [tilespmem:s31+$0x450];
	v42 =	vsel vm13, $0xFFFFFFFF, v52;
	v60 =	vimm.s32 $0x0;
	v52 =	vimm.s32 $0x0  }
0xd3: {  	[tilespmem:$0x1FE50] =	vst v37;
	v35 =	vsel vm14, v58, v35;
	v37 =	vsel vm12, $0xFFFFFFFF, v51;
	v41 =	vsel vm12, v63, v50  }
0xd4: {  	[tilespmem:$0x1FE20] =	vst v42;
	v42 =	vsel vm6, $0x6, v45;
	v45 =	vadd.f32 v57, v14;
	v51 =	vimm.s32 $0x0  }
0xd5: {  	v47 =	vsub.f32 v35, v36;
	v41 =	vsel vm13, v39, v41;
	v39 =	vsel vm13, v63, v39  }
0xd6: {  	[tilespmem:$0x1FE00] =	vst v44;
	v50 =	vld [tilespmem:s31+$0xFFFFF860];
	v57 =	vimm.s32 $0x0;
	vm14 =	vgt.f32 v38, v41;
	vm9 =	vgt.f32 v38, v39  }
0xd7: {  	[tilespmem:$0x1FDF0] =	vst v40;
	v40 =	vpop (erf);
	v62 =	vadd.f32 v48, v13;
	v47 =	vmul.f32 $1.442695020e+00, v47;
	v44 =	vsel vm14, $0xFFFFFFFF, v54  }
0xd8: {  	[tilespmem:$0x1FE10] =	vst v37;
	v63 =	vld [tilespmem:s31+$0xFFFFF060];
	v37 =	vpop (erf);
	v41 =	vsel vm14, v38, v41;
	v46 =	vsel vm9, $0xFFFFFFFF, v56;
	v58 =	vsel vm9, v38, v39  }
0xd9: {  	v59 =	vld [tilespmem:s31+$0xFFFFF460];
	v54 =	vsel vm3, $0x1, v7;
	v53 =	vadd.f32 $1.000000000e+00, v37;
	v41 =	vsel vm9, v39, v41  }
0xda: {  	vm11 =	vgt.f32 v55, v58;
	v39 =	vsel vm5, $0x7, v42;
	vm10 =	vgt.f32 v55, v41  }
0xdb: {  	[tilespmem:$0x1FE30] =	vst v44;
	v44 =	vsel vm11, v55, v58;
	v50 =	vadd.f32 v50, v10;
	(erf) = vrcp.f32 v53  }
0xdc: {  	v38 =	vsel vm10, $0xFFFFFFFF, v60;
	v61 =	vsel vm10, v55, v41;
	vm13 =	vgt.f32 v62, v44  }
0xdd: {  	v48 =	vadd.f32 v63, v8;
	v60 =	vimm.s32 $0x0;
	(erf) = vpow2.f32 v47  }
0xde: {  	[tilespmem:$0x1FE70] =	vst v38;
	v38 =	vsel vm11, $0xFFFFFFFF, v52;
	v53 =	vsel vm11, v58, v61;
	v47 =	vadd.f32 v59, v9  }
0xdf: {  	v51 =	vsel vm13, $0xFFFFFFFF, v51;
	v58 =	vimm.s32 $0x0;
	v41 =	vsel vm13, v62, v44  }
0xe0: {  	v55 =	vld [tilespmem:s31+$0xC50];
	v59 =	vimm.s32 $0x0;
	v61 =	vimm.s32 $0x0;
	[tilespmem:$0x1FEB0] =	vst v38;
	v38 =	vsel vm5, v42, v43  }
0xe1: {  	vm12 =	vgt.f32 v62, v53;
	[tilespmem:$0x1FEF0] =	vst v51;
	v51 =	vsel vm2, $0x2, v54;
	v54 =	vimm.s32 $0x0  }
0xe2: {  	v49 =	vsel vm12, $0xFFFFFFFF, v49;
	v43 =	vsel vm12, v62, v53;
	vm8 =	vlt.f32 v47, $-Inf  }
0xe3: {  	vm9 =	vgt.f32 v47, $-Inf;
	vm10 =	vgt.f32 v47, v48;
	[tilespmem:$0x1FEC0] =	vst v49;
	v49 =	vsel vm1, $0x1, v7  }
0xe4: {  	v56 =	vsel vm13, v44, v43;
	vm1 =	vmor vm9, vm8;
	vm11 =	vmneg vm10  }
0xe5: {  	[tilespmem:$0x1FE60] =	vst v46;
	vm14 =	vgt.f32 v45, v56;
	v46 =	vadd.f32 v55, v15;
	v52 =	vnsel vm1, $0xFF800000, v47  }
0xe6: {  	v53 =	vld [tilespmem:s31+$0xFFFFFC60];
	v54 =	vsel vm11, $0xFFFFFFFF, v54;
	v47 =	vsel vm11, v48, v47;
	v51 =	vsel vm0, v49, v51  }
0xe7: {  	v49 =	vsel vm0, $0x2, v49;
	v43 =	vsel vm14, $0xFFFFFFFF, v57;
	v42 =	vsel vm14, v45, v56  }
0xe8: {  	vm14 =	vgt.f32 v45, v41;
	v52 =	vsel vm11, v52, v48;
	v56 =	vimm.s32 $0x0  }
0xe9: {  	v51 =	vsel vm15, $0x3, v51;
	[tilespmem:$0x1FF00] =	vst v43;
	v43 =	vsel vm1, $0xFFFFFFFF, v58;
	v42 =	vsel vm14, v41, v42  }
0xea: {  	v55 =	vld [tilespmem:s31+$0x60];
	v45 =	vsel vm14, v45, v41;
	vm13 =	vgt.f32 v50, v52;
	[tilespmem:$0x1FE90] =	vst v43;
	v43 =	vsel vm10, $0xFFFFFFFF, v59  }
0xeb: {  	vm12 =	vgt.f32 v46, v42;
	v63 =	vsel vm13, v50, v52;
	v52 =	vadd.f32 v53, v11  }
0xec: {  	vm4 =	vgt.f32 v46, v45;
	v41 =	vsel vm12, $0xFFFFFFFF, v60;
	v62 =	vsel vm12, v46, v42  }
0xed: {  	v58 =	vld [tilespmem:s31+$0x460];
	v42 =	vsel vm4, $0xFFFFFFFF, v56;
	vm12 =	vgt.f32 v50, v47;
	v60 =	vimm.s32 $0x0;
	[tilespmem:$0x1FF30] =	vst v41  }
0xee: {  	v56 =	vimm.s32 $0x0;
	v41 =	vsel vm13, $0xFFFFFFFF, v61;
	[tilespmem:$0x1FF60] =	vst v42;
	v42 =	vsel vm4, v46, v45  }
0xef: {  	v44 =	vpop (erf);
	[tilespmem:$0x1FED0] =	vst v43;
	v57 =	vsel vm12, v47, v63;
	v47 =	vsel vm12, v50, v47;
	v61 =	vadd.f32 v55, v12  }
0xf0: {  	v43 =	vpop (erf);
	[tilespmem:$0x1FEE0] =	vst v41;
	v41 =	vsel vm4, v45, v62;
	vm5 =	vgt.f32 v52, v57;
	vm11 =	vgt.f32 v52, v47  }
0xf1: {  	[tilespmem:$0x1FEA0] =	vst v54;
	v54 =	vadd.f32 $1.000000000e+00, v43;
	v59 =	vsub.f32 v41, v42;
	v50 =	vsel vm5, $0xFFFFFFFF, v60  }
0xf2: {  	v62 =	vld [tilespmem:s31+$0xFFFFF470];
	v45 =	vsel vm5, v52, v57;
	v46 =	vadd.f32 v58, v13;
	v60 =	vimm.s32 $0x0  }
0xf3: {  	v57 =	vld [tilespmem:s31+$0xFFFFF070];
	v45 =	vsel vm11, v47, v45;
	v47 =	vsel vm11, v52, v47;
	(erf) = vrcp.f32 v54  }
0xf4: {  	v48 =	vmul.f32 $1.442695020e+00, v59;
	vm6 =	vgt.f32 v61, v45;
	vm10 =	vgt.f32 v61, v47  }
0xf5: {  	v63 =	vld [tilespmem:s31+$0x860];
	v59 =	vimm.s32 $0x0;
	v52 =	vsel vm6, $0xFFFFFFFF, v56;
	v45 =	vsel vm6, v61, v45  }
0xf6: {  	v58 =	vld [tilespmem:s31+$0xC60];
	v56 =	vimm.s32 $0x0;
	(erf) = vpow2.f32 v48;
	v45 =	vsel vm10, v47, v45  }
0xf7: {  	[tilespmem:$0x1FF10] =	vst v50;
	v47 =	vsel vm10, v61, v47;
	v50 =	vadd.f32 v62, v9;
	v61 =	vimm.s32 $0x0  }
0xf8: {  	v54 =	vld [tilespmem:s31+$0xFFFFF870];
	[tilespmem:$0x1FF20] =	vst v52;
	vm7 =	vgt.f32 v46, v45;
	vm9 =	vgt.f32 v46, v47;
	v52 =	vadd.f32 v57, v8  }
0xf9: {  	v57 =	vimm.s32 $0x0;
	v53 =	vsel vm7, $0xFFFFFFFF, v59;
	v45 =	vsel vm7, v46, v45  }
0xfa: {  	vm8 =	vlt.f32 v50, $-Inf;
	vm13 =	vgt.f32 v50, $-Inf;
	v62 =	vsel vm9, v46, v47  }
0xfb: {  	v46 =	vadd.f32 v58, v15;
	v59 =	vimm.s32 $0x0;
	[tilespmem:$0x1FF40] =	vst v53;
	v53 =	vadd.f32 v63, v14  }
0xfc: {  	v45 =	vsel vm9, v47, v45;
	vm1 =	vmor vm13, vm8;
	vm5 =	vgt.f32 v50, v52  }
0xfd: {  	v54 =	vadd.f32 v54, v10;
	v55 =	vsel vm1, $0xFFFFFFFF, v60;
	v63 =	vnsel vm1, $0xFF800000, v50  }
0xfe: {  	v56 =	vsel vm5, $0xFFFFFFFF, v56;
	vm13 =	vmneg vm5;
	vm4 =	vgt.f32 v53, v45  }
0xff: {  	v60 =	vld [tilespmem:s31+$0xFFFFFC70];
	vm8 =	vgt.f32 v53, v62;
	v47 =	vsel vm13, v63, v52;
	v50 =	vsel vm13, v52, v50  }
0x100: {  	[tilespmem:$0x1FF50] =	vst v55;
	v52 =	vimm.s32 $0x0;
	v55 =	vsel vm4, $0xFFFFFFFF, v61;
	v45 =	vsel vm4, v53, v45  }
0x101: {  	v53 =	vsel vm8, v53, v62;
	vm4 =	vgt.f32 v54, v47;
	vm6 =	vgt.f32 v54, v50  }
0x102: {  	v61 =	vld [tilespmem:s31+$0x70];
	[tilespmem:$0x1FF90] =	vst v55;
	v55 =	vmul.f32 v26, v25;
	v45 =	vsel vm8, v62, v45;
	v62 =	vimm.s32 $0x0  }
0x103: {  	[tilespmem:$0x1FF70] =	vst v56;
	v56 =	vpop (erf);
	v47 =	vsel vm4, v54, v47;
	v54 =	vsel vm6, v54, v50;
	vm7 =	vgt.f32 v46, v45  }
0x104: {  	[tilespmem:s18+$0xFFFFFF80] =	vst v17;
	v25 =	vpop (erf);
	v57 =	vsel vm7, $0xFFFFFFFF, v57;
	v45 =	vsel vm7, v46, v45;
	v48 =	vadd.f32 v60, v11  }
0x105: {  	vm7 =	vgt.f32 v46, v53;
	[tilespmem:$0x1FFB0] =	vst v57;
	v57 =	vsel vm4, $0xFFFFFFFF, v62;
	v63 =	vadd.f32 $1.000000000e+00, v25  }
0x106: {  	[tilespmem:s18+$0x0] =	vst v16;
	v16 =	vsel vm7, v53, v45;
	v17 =	vsel vm7, v46, v53;
	v53 =	vsel vm6, v50, v47  }
0x107: {  	v46 =	vld [tilespmem:s31+$0x470];
	v58 =	vsub.f32 v16, v17;
	vm5 =	vgt.f32 v48, v53;
	v60 =	vadd.f32 v61, v12  }
0x108: {  	[tilespmem:s18+$0xFFFFFF90] =	vst v19;
	v62 =	vld [tilespmem:s31+$0x870];
	v50 =	vsel vm5, $0xFFFFFFFF, v59;
	v45 =	vsel vm5, v48, v53;
	vm5 =	vgt.f32 v48, v54  }
0x109: {  	[tilespmem:s1+$0x0] =	vst v55;
	v55 =	vmul.f32 v32, v24;
	(erf) = vrcp.f32 v63;
	v61 =	vsel vm5, v54, v45  }
0x10a: {  	[tilespmem:s18+$0x10] =	vst v18;
	v63 =	vsel vm5, v48, v54;
	v48 =	vmul.f32 $1.442695020e+00, v58;
	v58 =	vld [tilespmem:$0x1FD80];
	vm4 =	vgt.f32 v60, v61  }
0x10b: {  	[tilespmem:s1+$0xFFFFFF80] =	vst v26;
	v59 =	vimm.s32 $0x0;
	v47 =	vsel vm4, $0xFFFFFFFF, v52;
	v53 =	vsel vm4, v60, v61  }
0x10c: {  	[tilespmem:$0x1FF80] =	vst v57;
	v57 =	vld [tilespmem:s31+$0xC70];
	v54 =	vadd.f32 v46, v13;
	vm4 =	vgt.f32 v60, v63;
	(erf) = vpow2.f32 v48  }
0x10d: {  	[tilespmem:s2+$0x0] =	vst v22;
	v61 =	vadd.f32 v62, v14;
	v19 =	vsel vm4, v63, v53;
	v22 =	vsel vm4, v60, v63;
	v63 =	vld [tilespmem:$0x1FD90]  }
0x10e: {  	v48 =	vimm.s32 $0x0;
	[tilespmem:$0x1FFC0] =	vst v47;
	v47 =	vld [tilespmem:$0x1FDA0];
	v53 =	vimm.s32 $0x0;
	vm15 =	vgt.f32 v54, v19  }
0x10f: {  	[tilespmem:s1+$0xFFFFFF90] =	vst v32;
	vm3 =	vgt.f32 v54, v22;
	vm0 =	vnez.u8 v58;
	v32 =	vsel vm15, $0xFFFFFFFF, v59  }
0x110: {  	[tilespmem:s18+$0xFFFFFFA0] =	vst v30;
	v52 =	vld [tilespmem:$0x1FDB0];
	v60 =	vsel vm15, v54, v19;
	v46 =	vsel vm3, v54, v22;
	v26 =	vsel vm0, v49, v51  }
0x111: {  	[tilespmem:s18+$0x20] =	vst v29;
	v54 =	vld [tilespmem:$0x1FDC0];
	v62 =	vsel vm0, $0x3, v49;
	v18 =	vsel vm3, v22, v60;
	v49 =	vadd.f32 v57, v15  }
0x112: {  	[tilespmem:s1+$0x10] =	vst v55;
	v58 =	vld [tilespmem:$0x1FDE0];
	vm2 =	vgt.f32 v61, v46;
	v51 =	vmul.f32 v40, v31;
	vm15 =	vnez.u8 v63  }
0x113: {  	[tilespmem:s2+$0xFFFFFF90] =	vst v21;
	v19 =	vsel vm2, v61, v46;
	vm0 =	vnez.u8 v47;
	v26 =	vsel vm15, $0x4, v26  }
0x114: {  	[tilespmem:$0x1FFA0] =	vst v50;
	v57 =	vld [tilespmem:$0x1FDD0];
	vm15 =	vgt.f32 v61, v18;
	v50 =	vsel vm0, $0x4, v62;
	v21 =	vsel vm0, v62, v26  }
0x115: {  	[tilespmem:s18+$0xFFFFFFB0] =	vst v34;
	v59 =	vld [tilespmem:$0x1FDF0];
	v22 =	vsel vm15, $0xFFFFFFFF, v48;
	v18 =	vsel vm15, v61, v18;
	vm15 =	vnez.u8 v52  }
0x116: {  	[tilespmem:s1+$0xFFFFFFA0] =	vst v40;
	v34 =	vld [tilespmem:$0x1FE10];
	v18 =	vsel vm2, v46, v18;
	v21 =	vsel vm15, $0x5, v21;
	vm15 =	vnez.u8 v54  }
0x117: {  	[tilespmem:s2+$0xFFFFFF80] =	vst v23;
	vm0 =	vnez.u8 v58;
	v62 =	vld [tilespmem:$0x1FE00];
	vm1 =	vgt.f32 v49, v18;
	v55 =	vsel vm15, $0x5, v50  }
0x118: {  	[tilespmem:s2+$0x10] =	vst v20;
	v45 =	vld [tilespmem:$0x1FE20];
	v20 =	vsel vm1, $0xFFFFFFFF, v53;
	v18 =	vsel vm1, v49, v18;
	vm1 =	vgt.f32 v49, v19  }
0x119: {  	v47 =	vld [tilespmem:$0x1FE40];
	[tilespmem:$0x1FFF0] =	vst v20;
	v20 =	vsel vm15, v50, v21;
	v18 =	vsel vm1, v19, v18;
	vm15 =	vnez.u8 v57  }
0x11a: {  	[tilespmem:$0x1FFE0] =	vst v22;
	v46 =	vld [tilespmem:$0x1FE30];
	v22 =	vpop (erf);
	v19 =	vsel vm1, v49, v19;
	v20 =	vsel vm15, $0x6, v20;
	vm15 =	vnez.u8 v59  }
0x11b: {  	v40 =	vmul.f32 v44, v37;
	[tilespmem:s1+$0x20] =	vst v51;
	v51 =	vld [tilespmem:$0x1FE70];
	v23 =	vpop (erf);
	v60 =	vsub.f32 v18, v19;
	vm0 =	vmand vm15, vm0  }
0x11c: {  	v48 =	vld [tilespmem:$0x1FE50];
	v63 =	vadd.f32 $1.000000000e+00, v23;
	vm15 =	vnez.u8 v62;
	v61 =	vsel vm0, $0x1, v7  }
0x11d: {  	[tilespmem:s2+$0x20] =	vst v27;
	v49 =	vld [tilespmem:$0x1FE60];
	v27 =	vsel vm15, $0x1, v7;
	vm15 =	vnez.u8 v34;
	v24 =	vmul.f32 $1.442695020e+00, v60  }
0x11e: {  	v52 =	vld [tilespmem:$0x1FE80];
	(erf) = vrcp.f32 v63;
	v26 =	vsel vm15, $0x2, v61;
	vm15 =	vnez.u8 v45  }
0x11f: {  	v53 =	vld [tilespmem:$0x1FE90];
	v26 =	vsel vm15, v27, v26;
	v27 =	vsel vm15, $0x2, v27;
	vm15 =	vnez.u8 v46  }
0x120: {  	v54 =	vld [tilespmem:$0x1FEA0];
	(erf) = vpow2.f32 v24;
	v26 =	vsel vm15, $0x3, v26;
	vm15 =	vnez.u8 v47  }
0x121: {  	v20 =	vsel vm15, v55, v20;
	v21 =	vsel vm15, $0x6, v55;
	vm15 =	vnez.u8 v48;
	v55 =	vld [tilespmem:$0x1FEB0]  }
0x122: {  	v58 =	vmul.f32 v56, v43;
	v59 =	vld [tilespmem:$0x1FEC0];
	v20 =	vsel vm15, $0x7, v20;
	vm15 =	vnez.u8 v49  }
0x123: {  	v60 =	vld [tilespmem:$0x1FED0];
	v24 =	vsel vm15, v27, v26;
	v50 =	vsel vm15, $0x3, v27;
	vm15 =	vnez.u8 v51  }
0x124: {  	[tilespmem:s18+$0x30] =	vst v33;
	vm0 =	vnez.u8 v53;
	v61 =	vld [tilespmem:$0x1FEE0];
	v24 =	vsel vm15, $0x4, v24;
	vm15 =	vnez.u8 v52  }
0x125: {  	[tilespmem:s1+$0xFFFFFFB0] =	vst v44;
	v62 =	vld [tilespmem:$0x1FEF0];
	v20 =	vsel vm15, v21, v20;
	v21 =	vsel vm15, $0x7, v21;
	vm15 =	vnez.u8 v54  }
0x126: {  	[tilespmem:s18+$0xFFFFFFD0] =	vst v42;
	v33 =	vld [tilespmem:$0x1FF10];
	v25 =	vmul.f32 v22, v25;
	vm0 =	vmand vm15, vm0;
	vm15 =	vnez.u8 v55  }
0x127: {  	[tilespmem:s18+$0x50] =	vst v41;
	v63 =	vld [tilespmem:$0x1FF00];
	v24 =	vsel vm15, v50, v24;
	v26 =	vsel vm15, $0x4, v50;
	vm15 =	vnez.u8 v59  }
0x128: {  	v41 =	vld [tilespmem:$0x1FF30];
	[tilespmem:s1+$0x30] =	vst v40;
	v34 =	vpop (erf);
	v57 =	vsel vm0, $0x1, v7;
	v24 =	vsel vm15, $0x5, v24;
	vm15 =	vnez.u8 v60  }
0x129: {  	[tilespmem:s2+$0xFFFFFFB0] =	vst v39;
	v43 =	vld [tilespmem:$0x1FF50];
	v53 =	vmul.f32 v34, v23;
	v39 =	vpop (erf);
	v29 =	vsel vm15, $0x1, v7;
	vm15 =	vnez.u8 v61  }
0x12a: {  	v42 =	vld [tilespmem:$0x1FF40];
	[tilespmem:$0x1FFD0] =	vst v32;
	v40 =	vadd.f32 $1.000000000e+00, v39;
	v27 =	vsel vm15, $0x2, v57;
	vm15 =	vnez.u8 v62  }
0x12b: {  	[tilespmem:s2+$0x30] =	vst v38;
	v38 =	vld [tilespmem:$0x1FF20];
	v32 =	vsel vm12, $0x2, v29;
	v24 =	vsel vm15, v26, v24;
	v26 =	vsel vm15, $0x5, v26  }
0x12c: {  	[tilespmem:s18+$0xFFFFFFC0] =	vst v36;
	v44 =	vld [tilespmem:$0x1FF60];
	v27 =	vsel vm12, v29, v27;
	vm15 =	vnez.u8 v63;
	vm12 =	vnez.u8 v33  }
0x12d: {  	[tilespmem:s18+$0x40] =	vst v35;
	v48 =	vld [tilespmem:$0x1FF70];
	v37 =	vsel vm11, $0x3, v32;
	(erf) = vrcp.f32 v40;
	v24 =	vsel vm15, $0x6, v24  }
0x12e: {  	[tilespmem:s1+$0xFFFFFFC0] =	vst v56;
	v49 =	vld [tilespmem:$0x1FF80];
	v27 =	vsel vm12, $0x3, v27;
	vm15 =	vnez.u8 v41;
	vm12 =	vnez.u8 v43  }
0x12f: {  	[tilespmem:s18+$0xFFFFFFE0] =	vst v17;
	v35 =	vsel vm14, v26, v24;
	v36 =	vsel vm11, v32, v27;
	v26 =	vsel vm14, $0x6, v26  }
0x130: {  	v17 =	vld [tilespmem:$0x1FFA0];
	[tilespmem:s1+$0x40] =	vst v58;
	vm14 =	vnez.u8 v38;
	v27 =	vsel vm10, $0x4, v37;
	vm11 =	vnez.u8 v42  }
0x131: {  	[tilespmem:s1+$0xFFFFFFD0] =	vst v22;
	vm0 =	vmand vm13, vm12;
	vm13 =	vnez.u8 v44;
	v24 =	vsel vm14, $0x4, v36  }
0x132: {  	[tilespmem:s2+$0x40] =	vst v20;
	v57 =	vld [tilespmem:$0x1FFC0];
	v20 =	vsel vm15, $0x7, v35;
	v22 =	vsel vm13, $0x7, v26;
	v45 =	vsel vm0, $0x1, v7  }
0x133: {  	v50 =	vld [tilespmem:$0x1FF90];
	v47 =	vsel vm9, $0x5, v27;
	vm14 =	vnez.u8 v48;
	vm15 =	vnez.u8 v49  }
0x134: {  	[tilespmem:s1+$0x50] =	vst v25;
	v60 =	vld [tilespmem:$0x1FFD0];
	v20 =	vsel vm13, v26, v20;
	v26 =	vsel vm14, $0x1, v7;
	v25 =	vsel vm15, $0x2, v45  }
0x135: {  	v55 =	vld [tilespmem:$0x1FFB0];
	v24 =	vsel vm10, v37, v24;
	vm10 =	vnez.u8 v17;
	v51 =	vsel vm6, v26, v25  }
0x136: {  	v24 =	vsel vm11, $0x5, v24;
	v52 =	vsel vm6, $0x2, v26;
	v17 =	vsel vm10, $0x3, v51  }
0x137: {  	[tilespmem:s18+$0x60] =	vst v16;
	vm12 =	vnez.u8 v57;
	v46 =	vsel vm9, v27, v24;
	v17 =	vsel vm5, v52, v17  }
0x138: {  	[tilespmem:s18+$0xFFFFFFF0] =	vst v19;
	vm9 =	vnez.u8 v50;
	v56 =	vsel vm5, $0x3, v52;
	v17 =	vsel vm12, $0x4, v17  }
0x139: {  	vm13 =	vnez.u8 v60;
	[tilespmem:s2+$0x50] =	vst v20;
	v20 =	vsel vm9, $0x6, v46;
	v17 =	vsel vm4, v56, v17  }
0x13a: {  	[tilespmem:s18+$0x70] =	vst v18;
	vm11 =	vnez.u8 v55;
	v16 =	vsel vm8, v47, v20;
	v17 =	vsel vm13, $0x5, v17  }
0x13b: {  	[tilespmem:s1+$0xFFFFFFE0] =	vst v34;
	v54 =	vsel vm8, $0x6, v47;
	v16 =	vsel vm11, $0x7, v16  }
0x13c: {  	[tilespmem:s1+$0x60] =	vst v53;
	v62 =	vld [tilespmem:$0x1FFE0];
	v59 =	vsel vm4, $0x4, v56;
	v16 =	vsel vm7, v54, v16  }
0x13d: {  	[tilespmem:s2+$0x60] =	vst v16;
	v16 =	vsel vm3, v59, v17;
	v17 =	vpop (erf)  }
0x13e: {  	v63 =	vmul.f32 v17, v39;
	[tilespmem:s1+$0xFFFFFFF0] =	vst v17;
	v17 =	vld [tilespmem:$0x1FFF0];
	_ =	sdelay $0x1  }
0x13f: {  	s0 =	sadd.s32 $0x8, s0;
	[tilespmem:s2+$0xFFFFFFA0] =	vst v28  }
0x140: {  	p0 =	slt.u32 s0, $0x38;
	[tilespmem:s2+$0xFFFFFFC0] =	vst v21;
	vm14 =	vnez.u8 v62  }
.Ltmp0:
0x141: {  	[tilespmem:s2+$0xFFFFFFD0] =	vst v22;
	v58 =	vsel vm7, $0x7, v54;
	v61 =	vsel vm3, $0x5, v59;
	v16 =	vsel vm14, $0x6, v16;
	(pc) =	sbr.rel @p0 .LBB2_2-.Ltmp0, $4  }
0x142: {  	[tilespmem:s2+$0xFFFFFFE0] =	vst v58;
	v19 =	vsel vm2, $0x6, v61;
	v16 =	vsel vm2, v61, v16;
	vm15 =	vnez.u8 v17  }
0x143: {  	[tilespmem:s1+$0x70] =	vst v63;
	v17 =	vsel vm1, $0x7, v19;
	v16 =	vsel vm15, $0x7, v16  }
0x144: {  	s31 =	sadd.s32 $0x80, s31;
	[tilespmem:s2+$0xFFFFFFF0] =	vst v17;
	v16 =	vsel vm1, v19, v16  }
0x145: {  	s18 =	sadd.s32 $0x100, s18;
	s1 =	sadd.s32 $0x100, s1;
	[tilespmem:s2+$0x70] =	vst v16;
	s2 =	sadd.s32 $0x100, s2  }
0x146: {  	[hbm4b:s12+s3] =	stream.linear.scatter [tilespmem:s26], [sflag:$0x2], $0x800, $0x38;
	[tilespmem:$0x3880] =	vst v63  }
0x147: {  	_ =	swait.ge [sflag:s24], $0x800  }
0x148: {  	[sflag:s24] =	ssyncset.done $0x0  }
0x149: {  	[sflag:s24] =	ssyncadd.s32 $0xFFFFF800  }
0x14a: {  	[hbm4b:s13+s3] =	stream.linear.scatter [tilespmem:s28], [sflag:$0x2], $0x800, $0x38;
	[tilespmem:$0x3880] =	vst v63  }
0x14b: {  	s30 =	sadd.s32 $0x1, s30;
	_ =	swait.ge [sflag:s24], $0x800  }
0x14c: {  	p0 =	sne.s32 s30, s15;
	[sflag:s24] =	ssyncset.done $0x0  }
.Ltmp1:
0x14d: {  	[sflag:s24] =	ssyncadd.s32 $0xFFFFF800;
	(pc) =	sbr.rel @p0 .LBB2_1-.Ltmp1, $4  }
0x14e: {  	[hbm4b:s14+s3] =	stream.linear.scatter [tilespmem:s29], [sflag:$0x2], $0x800, $0x38;
	[tilespmem:$0x3880] =	vst v63  }
0x14f: {  	_ =	swait.ge [sflag:s24], $0x800  }
0x150: {  	[sflag:s24] =	ssyncset.done $0x0  }
0x151: {  	[sflag:s24] =	ssyncadd.s32 $0xFFFFF800  }
0x152: {  	_ =	sfence.sel $0x180000  }
0x153: {  	[bflag:$0x0] =	sbarrier.arrive $0xFFFF  }
0x154: {  	_ =	strace $0x90000047  }
0x155: {  	s0 =	stileid.u32;
	[bflag:$0x2] =	sbarrier.arrive $0xFFFF  }
0x156: {  	p0 =	sne.s32 s0, $0x0;
	s0 =	rddreg [dreg:$0x5]  }
0x157: {  	s0 =	sadd.s32 @!p0 $0x100000, s0  }
0x158: {  	[sflag:s0] =	ssyncadd.tile.s32 @!p0 $0x1;
	_ =	shalt  }
.Lfunc_end2:
_tile_overlayer_lowered:
.L_overlay_start_2:
0x159: {  	(tag) =	ssettag $0x2  }
0x15a: {  	s0 =	rddreg [dreg:$0x0];
	s2 =	stileid.u32  }
0x15b: {  	s1 =	rddreg [dreg:$0x1];
	p0 =	sne.s32 s2, $0x0  }
0x15c: {  	s3 =	rddreg [dreg:$0x2];
	[bflag:$0x3] =	sbarrier.arrive $0xFFFF;
	s2 =	simm.s32 @!p0 $0x1C02  }
0x15d: {  	[timem:s3], [sflag:s2] =	dma.local @!p0 [hbm:s0], s1  }
0x15e: {  	s0 =	simm.s32 @!p0 $0x2  }
0x15f: {  	_ =	swait.ge @!p0 [sflag:s0], s1  }
0x160: {  	s1 =	ssub.s32 @!p0 $0x0, s1;
	[sflag:s0] =	ssyncset.done @!p0 $0x0  }
0x161: {  	[sflag:s0] =	ssyncadd.s32 @!p0 s1  }
0x162: {  	[bflag:$0x3] =	sbarrier.arrive $0xFFFF  }
0x163: {  	_ =	shalt  }

</sc_bundles>
